<compile_context>
chip_gen: v7x
topology: tpu7x:2x2x1
jax: 0.10.2.dev20260603
libtpu: 0.0.44.dev20260713+nightly
codegen_flags: <defaults>
</compile_context>

<pallas_src>
import jax
import jax.numpy as jnp
import numpy as np
from jax.experimental import pallas as pl
from jax.experimental.pallas import tpu as pltpu
from jax.experimental.pallas import tpu_sc as plsc

_B = 16
_N = 4096
_S = 512
_K = 16
_R2 = np.float32(0.1 * 0.1)
_F32 = jnp.float32
_TW = 128


def _fps_body(x_ref, y_ref, z_ref, ox_ref, oy_ref, oz_ref, dmin_ref):
    iota_n = jax.lax.broadcasted_iota(jnp.int32, (_B, _N), 1)
    iota_s = jax.lax.broadcasted_iota(jnp.int32, (_B, _S), 1)
    ox_ref[...] = jnp.zeros((_B, _S), _F32)
    oy_ref[...] = jnp.zeros((_B, _S), _F32)
    oz_ref[...] = jnp.zeros((_B, _S), _F32)
    dmin_ref[...] = jnp.full((_B, _N), 1e10, _F32)

    def step(s, carry):
        cx, cy, cz = carry
        e = (iota_s == s).astype(_F32)
        ox_ref[...] = ox_ref[...] + cx * e
        oy_ref[...] = oy_ref[...] + cy * e
        oz_ref[...] = oz_ref[...] + cz * e
        X = x_ref[...]
        Y = y_ref[...]
        Z = z_ref[...]
        d = ((X - cx) ** 2 + (Y - cy) ** 2) + (Z - cz) ** 2
        dm = jnp.minimum(dmin_ref[...], d)
        dmin_ref[...] = dm
        m = jnp.max(dm, axis=1, keepdims=True)
        cand = jnp.where(dm == m, iota_n, _N)
        fi = jnp.min(cand, axis=1, keepdims=True)
        oh = iota_n == fi
        nx = jnp.sum(jnp.where(oh, X, 0.0), axis=1, keepdims=True)
        ny = jnp.sum(jnp.where(oh, Y, 0.0), axis=1, keepdims=True)
        nz = jnp.sum(jnp.where(oh, Z, 0.0), axis=1, keepdims=True)
        return nx, ny, nz

    c0 = (x_ref[:, 0:1], y_ref[:, 0:1], z_ref[:, 0:1])
    jax.lax.fori_loop(0, _S, step, c0)


def _fps(X, Y, Z):
    out = [jax.ShapeDtypeStruct((_B, _S), _F32)] * 3
    return pl.pallas_call(
        _fps_body,
        out_shape=out,
        scratch_shapes=[pltpu.VMEM((_B, _N), _F32)],
    )(X, Y, Z)


def _bq_body(q_ref, p_ref, o_ref):
    b = pl.program_id(0)
    Q = q_ref[0]
    P = p_ref[0]
    D = -2.0 * jnp.dot(Q, P, preferred_element_type=_F32)
    qx, qy, qz = Q[:, 0:1], Q[:, 1:2], Q[:, 2:3]
    sq = (qx * qx + qy * qy) + qz * qz
    X = P[0:1, :]
    Y = P[1:2, :]
    Z = P[2:3, :]
    sx = X * X + Y * Y + Z * Z
    D = (D + sq) + sx
    iota_n = jax.lax.broadcasted_iota(jnp.int32, (_S, _N), 1)
    val = jnp.where(D <= _R2, iota_n, _N)
    col16 = jax.lax.broadcasted_iota(jnp.int32, (_S, _K), 1)
    acc = jnp.full((_S, _K), _N, jnp.int32)
    for k in range(_K):
        m = jnp.min(val, axis=1, keepdims=True)
        acc = jnp.where(col16 == k, m, acc)
        val = jnp.where(val == m, _N, val)
    first = acc[:, 0:1]
    acc = jnp.where(acc == _N, first, acc)
    acc = jnp.where(acc == _N, _N - 1, acc)
    o_ref[0] = acc + b * _N


def _ball_query(q8, xyz8):
    return pl.pallas_call(
        _bq_body,
        grid=(_B,),
        in_specs=[
            pl.BlockSpec((1, _S, 8), lambda b: (b, 0, 0)),
            pl.BlockSpec((1, 8, _N), lambda b: (b, 0, 0)),
        ],
        out_specs=pl.BlockSpec((1, _S, _K), lambda b: (b, 0, 0)),
        out_shape=jax.ShapeDtypeStruct((_B, _S, _K), jnp.int32),
    )(q8, xyz8)


def _sc_gather(table, indices):
    num = indices.shape[0]
    idx2 = indices.reshape(1, num)
    mesh = plsc.VectorSubcoreMesh(core_axis_name="core",
                                  subcore_axis_name="subcore")

    @pl.kernel(out_type=jax.ShapeDtypeStruct((num, table.shape[1]),
                                             table.dtype),
               mesh=mesh)
    def _k(x_hbm, i_hbm, o_hbm):
        def body(i_vmem, o_vmem):
            pltpu.sync_copy(x_hbm.at[i_vmem.at[0]], o_vmem)

        pltpu.emit_pipeline(
            body,
            grid=(num // 128,),
            in_specs=[pl.BlockSpec((1, 128), index_map=lambda i: (0, i))],
            out_specs=[pl.BlockSpec((128, table.shape[1]),
                                    index_map=lambda i: (i, 0))],
            core_axis_name=("core", "subcore"),
            dimension_semantics=(pltpu.PARALLEL,),
        )(i_hbm, o_hbm)

    return _k(table, idx2)


_RB = 4096
_NROW = _B * _S * _K
_NBLK = _NROW // _RB


def _p1_body(g_ref, q_ref, w_ref, pb_ref, l_ref, s_ref, acc_ref):
    i = pl.program_id(0)

    @pl.when(i == 0)
    def _():
        acc_ref[...] = jnp.zeros_like(acc_ref)

    G16 = g_ref[:, :16].reshape(_RB // _K, _K, 16)
    H = (G16 - q_ref[...].reshape(_RB // _K, 1, 16)).reshape(_RB, 16)
    L = jnp.dot(H, w_ref[...], preferred_element_type=_F32) + pb_ref[0:1, :]
    l_ref[...] = L
    acc_ref[0:1, :] = acc_ref[0:1, :] + jnp.sum(L, axis=0, keepdims=True)
    acc_ref[1:2, :] = acc_ref[1:2, :] + jnp.sum(L * L, axis=0, keepdims=True)

    @pl.when(i == _NBLK - 1)
    def _():
        s_ref[...] = acc_ref[...]


def _p1(G, Qfull, W0T, pb0):
    c = W0T.shape[1]
    return pl.pallas_call(
        _p1_body,
        grid=(_NBLK,),
        in_specs=[
            pl.BlockSpec((_RB, _TW), lambda i: (i, 0)),
            pl.BlockSpec((_RB // _K, 16), lambda i: (i, 0)),
            pl.BlockSpec((16, c), lambda i: (0, 0)),
            pl.BlockSpec((8, c), lambda i: (0, 0)),
        ],
        out_specs=[
            pl.BlockSpec((_RB, c), lambda i: (i, 0)),
            pl.BlockSpec((8, c), lambda i: (0, 0)),
        ],
        out_shape=[
            jax.ShapeDtypeStruct((_NROW, c), _F32),
            jax.ShapeDtypeStruct((8, c), _F32),
        ],
        scratch_shapes=[pltpu.VMEM((8, c), _F32)],
    )(G, Qfull, W0T, pb0)


def _bn_relu(L, stats, pb):
    n = _F32(_NROW)
    mean = stats[0:1, :] / n
    var = stats[1:2, :] / n - mean * mean
    return jax.nn.relu(
        pb[1:2, :] * (L - mean) / jnp.sqrt(var + 1e-5) + pb[2:3, :])


def _p2_body(l_ref, s_ref, pb_ref, w_ref, pbn_ref, ln_ref, sn_ref, acc_ref):
    i = pl.program_id(0)

    @pl.when(i == 0)
    def _():
        acc_ref[...] = jnp.zeros_like(acc_ref)

    H = _bn_relu(l_ref[...], s_ref[...], pb_ref[...])
    L = jnp.dot(H, w_ref[...], preferred_element_type=_F32) + pbn_ref[0:1, :]
    ln_ref[...] = L
    acc_ref[0:1, :] = acc_ref[0:1, :] + jnp.sum(L, axis=0, keepdims=True)
    acc_ref[1:2, :] = acc_ref[1:2, :] + jnp.sum(L * L, axis=0, keepdims=True)

    @pl.when(i == _NBLK - 1)
    def _():
        sn_ref[...] = acc_ref[...]


def _p2(L, stats, pb, WT, pbn):
    c = WT.shape[0]
    cn = WT.shape[1]
    return pl.pallas_call(
        _p2_body,
        grid=(_NBLK,),
        in_specs=[
            pl.BlockSpec((_RB, c), lambda i: (i, 0)),
            pl.BlockSpec((8, c), lambda i: (0, 0)),
            pl.BlockSpec((8, c), lambda i: (0, 0)),
            pl.BlockSpec((c, cn), lambda i: (0, 0)),
            pl.BlockSpec((8, cn), lambda i: (0, 0)),
        ],
        out_specs=[
            pl.BlockSpec((_RB, cn), lambda i: (i, 0)),
            pl.BlockSpec((8, cn), lambda i: (0, 0)),
        ],
        out_shape=[
            jax.ShapeDtypeStruct((_NROW, cn), _F32),
            jax.ShapeDtypeStruct((8, cn), _F32),
        ],
        scratch_shapes=[pltpu.VMEM((8, cn), _F32)],
    )(L, stats, pb, WT, pbn)


def _p4_body(l_ref, s_ref, pb_ref, o_ref):
    H = _bn_relu(l_ref[...], s_ref[...], pb_ref[...])
    o_ref[...] = jnp.max(H.reshape(_RB // _K, _K, 32), axis=1)


def _p4(L2, stats, pb):
    return pl.pallas_call(
        _p4_body,
        grid=(_NBLK,),
        in_specs=[
            pl.BlockSpec((_RB, 32), lambda i: (i, 0)),
            pl.BlockSpec((8, 32), lambda i: (0, 0)),
            pl.BlockSpec((8, 32), lambda i: (0, 0)),
        ],
        out_specs=pl.BlockSpec((_RB // _K, 32), lambda i: (i, 0)),
        out_shape=jax.ShapeDtypeStruct((_B * _S, 32), _F32),
    )(L2, stats, pb)


def _pbrow(b, g, be, c):
    p = jnp.zeros((8, c), _F32)
    p = p.at[0, : b.shape[0]].set(b)
    p = p.at[1, : g.shape[0]].set(g)
    p = p.at[2, : be.shape[0]].set(be)
    return p


def kernel(pts, W0, b0, gamma0, beta0, W1, b1, gamma1, beta1,
           W2, b2, gamma2, beta2):
    X = pts[:, 0, :]
    Y = pts[:, 1, :]
    Z = pts[:, 2, :]

    ox, oy, oz = _fps(X, Y, Z)

    q3 = jnp.stack([ox, oy, oz], axis=-1)
    q8 = jnp.pad(q3, ((0, 0), (0, 0), (0, 5)))
    xyz8 = jnp.pad(jnp.stack([X, Y, Z], axis=1),
                   ((0, 0), (0, 5), (0, 0)))
    gidx = _ball_query(q8, xyz8)

    table = jnp.pad(jnp.transpose(pts, (0, 2, 1)).reshape(_B * _N, 6),
                    ((0, 0), (0, _TW - 6)))
    G = _sc_gather(table, gidx.reshape(_NROW))

    qrows = jnp.pad(q3.reshape(_B * _S, 3), ((0, 0), (0, 13)))

    W0T = jnp.pad(W0, ((0, 0), (0, 10))).T
    W1T = W1.T
    W2T = W2.T
    pb0 = _pbrow(b0, gamma0, beta0, 16)
    pb1 = _pbrow(b1, gamma1, beta1, 16)
    pb2 = _pbrow(b2, gamma2, beta2, 32)

    L0, s0 = _p1(G, qrows, W0T, pb0)
    L1, s1 = _p2(L0, s0, pb0, W1T, pb1)
    L2, s2 = _p2(L1, s1, pb1, W2T, pb2)
    M = _p4(L2, s2, pb2)

    new_xyz = jnp.stack([ox, oy, oz], axis=1)
    new_points = jnp.transpose(M.reshape(_B, _S, 32), (0, 2, 1))
    return new_xyz, new_points

# --- scband reference (transcript-rebuilt; emitter-appended) ---
"""Pipeline reference for scband-feat-extraction-layer-66623532695715 (READ-ONLY COPY).

The authoritative reference and input builder live on the scoring server;
editing this copy changes nothing except your own understanding.
"""

import jax, jax.numpy as jnp
import numpy as np

B = 16
N = 4096
NPOINT = 512
RADIUS = 0.1
NSAMPLE = 16
MLP = [16, 16, 32]
IN_CH = 6


def square_distance(src, dst):
    d = -2.0 * jnp.einsum('bsc,bnc->bsn', src, dst)
    d = d + jnp.sum(src ** 2, axis=-1)[:, :, None]
    d = d + jnp.sum(dst ** 2, axis=-1)[:, None, :]
    return d


def farthest_point_sample(xyz, npoint):
    b, n, _ = xyz.shape

    def body(carry, _):
        distance, farthest = carry
        centroid = xyz[jnp.arange(b), farthest][:, None, :]
        dist = jnp.sum((xyz - centroid) ** 2, axis=-1)
        distance = jnp.minimum(distance, dist)
        new_far = jnp.argmax(distance, axis=-1).astype(jnp.int32)
        return (distance, new_far), farthest

    init = (jnp.full((b, n), 1e10, dtype=xyz.dtype), jnp.zeros((b,), dtype=jnp.int32))
    _, idxs = jax.lax.scan(body, init, None, length=npoint)
    return jnp.transpose(idxs, (1, 0))


def query_ball_point(radius, nsample, xyz, new_xyz):
    b, n, _ = xyz.shape
    s = new_xyz.shape[1]
    sqrdists = square_distance(new_xyz, xyz)
    group_idx = jnp.broadcast_to(jnp.arange(n, dtype=jnp.int32), (b, s, n))
    group_idx = jnp.where(sqrdists > radius ** 2, n, group_idx)
    group_idx = jnp.sort(group_idx, axis=-1)[:, :, :nsample]
    group_first = jnp.broadcast_to(group_idx[:, :, :1], group_idx.shape)
    group_idx = jnp.where(group_idx == n, group_first, group_idx)
    return group_idx


def _forward(pts, params):
    xyz = jnp.transpose(pts[:, :3, :], (0, 2, 1))
    normal = jnp.transpose(pts[:, 3:, :], (0, 2, 1))
    b = pts.shape[0]
    fps_idx = farthest_point_sample(xyz, NPOINT)
    bi = jnp.arange(b)[:, None]
    new_xyz = xyz[bi, fps_idx]
    idx = query_ball_point(RADIUS, NSAMPLE, xyz, new_xyz)
    bi3 = jnp.arange(b)[:, None, None]
    grouped_xyz = xyz[bi3, idx]
    grouped_xyz_norm = grouped_xyz - new_xyz[:, :, None, :]
    grouped_points = normal[bi3, idx]
    h = jnp.concatenate([grouped_xyz_norm, grouped_points], axis=-1)
    for (W, bb, g, be) in params:
        h = jnp.einsum('bskc,oc->bsko', h, W) + bb
        mean = jnp.mean(h, axis=(0, 1, 2))
        var = jnp.var(h, axis=(0, 1, 2))
        h = g * (h - mean) / jnp.sqrt(var + 1e-5) + be
        h = jax.nn.relu(h)
    new_points = jnp.max(h, axis=2)
    return jnp.transpose(new_xyz, (0, 2, 1)), jnp.transpose(new_points, (0, 2, 1))


def setup_inputs(seed: int = 0):
    key = jax.random.key(seed)
    ks = jax.random.split(key, 8)
    out = {'pts': jax.random.uniform(ks[0], (B, IN_CH, N), dtype=jnp.float32)}
    in_c = IN_CH
    for li, oc in enumerate(MLP):
        out['W%d' % li] = jax.random.normal(ks[li + 1], (oc, in_c), dtype=jnp.float32) * (1.0 / np.sqrt(in_c))
        out['b%d' % li] = jnp.zeros((oc,), dtype=jnp.float32)
        out['gamma%d' % li] = jnp.ones((oc,), dtype=jnp.float32)
        out['beta%d' % li] = jnp.zeros((oc,), dtype=jnp.float32)
        in_c = oc
    return out


def reference(pts, W0, b0, gamma0, beta0, W1, b1, gamma1, beta1, W2, b2, gamma2, beta2):
    params = [(W0, b0, gamma0, beta0), (W1, b1, gamma1, beta1), (W2, b2, gamma2, beta2)]
    return _forward(pts, params)

if __name__ == "__main__":
    import jax
    _d = setup_inputs()
    print(jax.jit(kernel)(*tuple(_d.values())))

</pallas_src>

<mosaic_0001>
#map = affine_map<(d0, d1) -> (0, 0)>
module attributes {stable_mosaic.version = 14 : i64} {
  func.func @_k(%arg0: i32, %arg1: i32, %arg2: memref<65536x128xf32, #tpu.memory_space<hbm>>, %arg3: memref<1x131072xi32, #tpu.memory_space<hbm>>, %arg4: memref<131072x128xf32, #tpu.memory_space<hbm>>) attributes {dimension_semantics = [#tpu.dimension_semantics<core_parallel>, #tpu.dimension_semantics<subcore_parallel>], iteration_bounds = array<i64: 2, 16>, scalar_prefetch = 0 : i64, scratch_operands = 0 : i64, tpu.core_type = #tpu.core_type<sc_vector_subcore>, window_params = [{transform_indices = #map}, {transform_indices = #map}, {transform_indices = #map}]} {
    %mul3A = arith.constant 1 : i32
    %mul3A_0 = arith.muli %arg1, %mul3A : i32
    %add3A = arith.constant 0 : i32
    %add3A_1 = arith.addi %add3A, %mul3A_0 : i32
    %mul3A_2 = arith.constant 16 : i32
    %mul3A_3 = arith.muli %arg0, %mul3A_2 : i32
    %add3A_4 = arith.addi %add3A_1, %mul3A_3 : i32
    %mul3A_5 = arith.constant 32 : i32
    %mul3A_6 = arith.muli %add3A_4, %mul3A_5 : i32
    "tpu.region"() ({
      %run_scoped3A = memref.alloca() : memref<2x1x128xi32, #tpu.memory_space<vmem>>
      %run_scoped3A_7 = tpu.sem_alloc : memref<2x!tpu.dma_semaphore, #tpu.memory_space<semaphore_mem>>
      %run_scoped3A_8 = memref.alloca() : memref<2x128x128xf32, #tpu.memory_space<vmem>>
      %run_scoped3A_9 = tpu.sem_alloc : memref<2x!tpu.dma_semaphore, #tpu.memory_space<semaphore_mem>>
      %add3A_10 = arith.constant 0 : i32
      %add3A_11 = arith.addi %add3A_10, %mul3A_6 : i32
      %select_n3A = arith.constant true
      %select_n3A_12 = arith.constant 0 : i32
      %select_n3A_13 = arith.constant -1 : i32
      %select_n3A_14 = arith.select %select_n3A, %select_n3A_13, %select_n3A_12 : i32
      %eq3A = arith.constant -1 : i32
      %eq3A_15 = arith.cmpi eq, %select_n3A_14, %eq3A : i32
      %select_n3A_16 = arith.constant 31 : i32
      %select_n3A_17 = arith.select %eq3A_15, %select_n3A_16, %select_n3A_14 : i32
      %add3A_18 = arith.addi %select_n3A_17, %mul3A_6 : i32
      %select_n3A_19 = arith.constant true
      %select_n3A_20 = arith.constant 0 : i32
      %select_n3A_21 = arith.constant 1 : i32
      %select_n3A_22 = arith.select %select_n3A_19, %select_n3A_21, %select_n3A_20 : i32
      %eq3A_23 = arith.constant 32 : i32
      %eq3A_24 = arith.cmpi eq, %select_n3A_22, %eq3A_23 : i32
      %select_n3A_25 = arith.constant 0 : i32
      %select_n3A_26 = arith.select %eq3A_24, %select_n3A_25, %select_n3A_22 : i32
      %add3A_27 = arith.addi %select_n3A_26, %mul3A_6 : i32
      %add3A_28 = arith.constant 1 : i32
      %add3A_29 = arith.addi %select_n3A_26, %add3A_28 : i32
      %select_n3A_30 = arith.constant true
      %select_n3A_31 = arith.select %select_n3A_30, %add3A_29, %select_n3A_26 : i32
      %eq3A_32 = arith.constant 32 : i32
      %eq3A_33 = arith.cmpi eq, %select_n3A_31, %eq3A_32 : i32
      %select_n3A_34 = arith.constant 0 : i32
      %select_n3A_35 = arith.select %eq3A_33, %select_n3A_34, %select_n3A_31 : i32
      %add3A_36 = arith.addi %select_n3A_35, %mul3A_6 : i32
      "tpu.trace_start"() <{level = 10 : i32, message = "ep_initialize_0"}> : () -> ()
      %rem3A = arith.constant 0 : i32
      %rem3A_37 = arith.constant 2 : i32
      %rem3A_38 = arith.remui %rem3A, %rem3A_37 : i32
      %mul3A_39 = arith.constant 128 : i32
      %mul3A_40 = arith.muli %mul3A_39, %add3A_11 : i32
      %dma_start3A = arith.constant 0 : i32
      %dma_start3A_41 = arith.constant 0 : i32
      %dma_start3A_42 = tpu.memref_slice %run_scoped3A[%rem3A_38, %dma_start3A, %dma_start3A_41] : memref<2x1x128xi32, #tpu.memory_space<vmem>> -> memref<1x1x128xi32, #tpu.memory_space<vmem>>
      %dma_start3A_43 = tpu.memref_squeeze %dma_start3A_42 : memref<1x1x128xi32, #tpu.memory_space<vmem>> -> memref<1x128xi32, #tpu.memory_space<vmem>>
      %dma_start3A_44 = arith.constant 0 : i32
      %dma_start3A_45 = tpu.memref_slice %arg3[%dma_start3A_44, %mul3A_40] : memref<1x131072xi32, #tpu.memory_space<hbm>> -> memref<1x128xi32, #tpu.memory_space<hbm>>
      %dma_start3A_46 = tpu.memref_slice %run_scoped3A_7[%rem3A_38] : memref<2x!tpu.dma_semaphore, #tpu.memory_space<semaphore_mem>> -> memref<1x!tpu.dma_semaphore, #tpu.memory_space<semaphore_mem>>
      %dma_start3A_47 = tpu.memref_squeeze %dma_start3A_46 : memref<1x!tpu.dma_semaphore, #tpu.memory_space<semaphore_mem>> -> memref<!tpu.dma_semaphore, #tpu.memory_space<semaphore_mem>>
      %dma_start3A_48 = arith.constant 0 : i32
      %dma_start3A_49 = arith.constant 0 : i32
      %dma_start3A_50 = tpu.memref_slice %run_scoped3A[%rem3A_38, %dma_start3A_48, %dma_start3A_49] : memref<2x1x128xi32, #tpu.memory_space<vmem>> -> memref<1x1x128xi32, #tpu.memory_space<vmem>>
      %dma_start3A_51 = tpu.memref_squeeze %dma_start3A_50 : memref<1x1x128xi32, #tpu.memory_space<vmem>> -> memref<1x128xi32, #tpu.memory_space<vmem>>
      %dma_start3A_52 = arith.constant 0 : i32
      %dma_start3A_53 = tpu.memref_slice %arg3[%dma_start3A_52, %mul3A_40] : memref<1x131072xi32, #tpu.memory_space<hbm>> -> memref<1x128xi32, #tpu.memory_space<hbm>>
      tpu.enqueue_dma source(%dma_start3A_53 : memref<1x128xi32, #tpu.memory_space<hbm>>) target(%dma_start3A_51 : memref<1x128xi32, #tpu.memory_space<vmem>>) target_semaphore(%dma_start3A_47 : memref<!tpu.dma_semaphore, #tpu.memory_space<semaphore_mem>>)
      %add3A_54 = arith.constant 0 : i32
      %add3A_55 = arith.constant 1 : i32
      %add3A_56 = arith.addi %add3A_54, %add3A_55 : i32
      %select_n3A_57 = arith.constant true
      %select_n3A_58 = arith.constant 0 : i32
      %select_n3A_59 = arith.select %select_n3A_57, %add3A_56, %select_n3A_58 : i32
      "tpu.trace_stop"() : () -> ()
      %scan3A = arith.constant 0 : i32
      %scan3A_60 = arith.constant 0 : i32
      %scan3A_61 = arith.constant 0 : i32
      %scan3A_62 = arith.constant 0 : i32
      %scan3A_63 = arith.constant 0 : i32
      %scan3A_64 = arith.constant 32 : i32
      %scan3A_65 = arith.addi %scan3A_63, %scan3A_64 : i32
      %scan3A_66 = arith.constant 1 : i32
      %scan3A_67:5 = scf.for %scan3A_121 = %scan3A_63 to %scan3A_65 step %scan3A_66 iter_args(%scan3A_122 = %select_n3A_59, %scan3A_123 = %scan3A, %scan3A_124 = %scan3A_60, %scan3A_125 = %scan3A_61, %scan3A_126 = %scan3A_62) -> (i32, i32, i32, i32, i32)  : i32 {
        %eq3A_127 = arith.constant 0 : i32
        %eq3A_128 = arith.cmpi eq, %scan3A_121, %eq3A_127 : i32
        %eq3A_129 = arith.constant 31 : i32
        %eq3A_130 = arith.cmpi eq, %scan3A_121, %eq3A_129 : i32
        %add3A_131 = arith.addi %scan3A_126, %mul3A_6 : i32
        %sub3A_132 = arith.constant 1 : i32
        %sub3A_133 = arith.subi %scan3A_126, %sub3A_132 : i32
        %select_n3A_134 = arith.constant true
        %select_n3A_135 = arith.select %select_n3A_134, %sub3A_133, %scan3A_126 : i32
        %eq3A_136 = arith.constant -1 : i32
        %eq3A_137 = arith.cmpi eq, %select_n3A_135, %eq3A_136 : i32
        %select_n3A_138 = arith.constant 31 : i32
        %select_n3A_139 = arith.select %eq3A_137, %select_n3A_138, %select_n3A_135 : i32
        %add3A_140 = arith.addi %select_n3A_139, %mul3A_6 : i32
        %add3A_141 = arith.constant 1 : i32
        %add3A_142 = arith.addi %scan3A_126, %add3A_141 : i32
        %select_n3A_143 = arith.constant true
        %select_n3A_144 = arith.select %select_n3A_143, %add3A_142, %scan3A_126 : i32
        %eq3A_145 = arith.constant 32 : i32
        %eq3A_146 = arith.cmpi eq, %select_n3A_144, %eq3A_145 : i32
        %select_n3A_147 = arith.constant 0 : i32
        %select_n3A_148 = arith.select %eq3A_146, %select_n3A_147, %select_n3A_144 : i32
        %add3A_149 = arith.addi %select_n3A_148, %mul3A_6 : i32
        %add3A_150 = arith.constant 1 : i32
        %add3A_151 = arith.addi %select_n3A_148, %add3A_150 : i32
        %select_n3A_152 = arith.constant true
        %select_n3A_153 = arith.select %select_n3A_152, %add3A_151, %select_n3A_148 : i32
        %eq3A_154 = arith.constant 32 : i32
        %eq3A_155 = arith.cmpi eq, %select_n3A_153, %eq3A_154 : i32
        %select_n3A_156 = arith.constant 0 : i32
        %select_n3A_157 = arith.select %eq3A_155, %select_n3A_156, %select_n3A_153 : i32
        %add3A_158 = arith.addi %select_n3A_157, %mul3A_6 : i32
        %ne3A = arith.cmpi ne, %add3A_131, %add3A_149 : i32
        %or3A = arith.constant false
        %or3A_159 = arith.ori %or3A, %ne3A : i1
        %ge3A = arith.constant 31 : i32
        %ge3A_160 = arith.cmpi sge, %scan3A_121, %ge3A : i32
        %not3A = arith.constant true
        %not3A_161 = arith.xori %ge3A_160, %not3A : i1
        %and3A = arith.andi %or3A_159, %not3A_161 : i1
        %convert_element_type3A = arith.extui %and3A : i1 to i32
        %cond3A = arith.constant 0 : i32
        %cond3A_162 = arith.cmpi ne, %convert_element_type3A, %cond3A : i32
        scf.if %cond3A_162 {
          "tpu.trace_start"() <{level = 10 : i32, message = "ep_copy_in"}> : () -> ()
          %rem3A_264 = arith.constant 2 : i32
          %rem3A_265 = arith.remui %scan3A_122, %rem3A_264 : i32
          %mul3A_266 = arith.constant 128 : i32
          %mul3A_267 = arith.muli %mul3A_266, %add3A_149 : i32
          %dma_start3A_268 = arith.constant 0 : i32
          %dma_start3A_269 = arith.constant 0 : i32
          %dma_start3A_270 = tpu.memref_slice %run_scoped3A[%rem3A_265, %dma_start3A_268, %dma_start3A_269] : memref<2x1x128xi32, #tpu.memory_space<vmem>> -> memref<1x1x128xi32, #tpu.memory_space<vmem>>
          %dma_start3A_271 = tpu.memref_squeeze %dma_start3A_270 : memref<1x1x128xi32, #tpu.memory_space<vmem>> -> memref<1x128xi32, #tpu.memory_space<vmem>>
          %dma_start3A_272 = arith.constant 0 : i32
          %dma_start3A_273 = tpu.memref_slice %arg3[%dma_start3A_272, %mul3A_267] : memref<1x131072xi32, #tpu.memory_space<hbm>> -> memref<1x128xi32, #tpu.memory_space<hbm>>
          %dma_start3A_274 = tpu.memref_slice %run_scoped3A_7[%rem3A_265] : memref<2x!tpu.dma_semaphore, #tpu.memory_space<semaphore_mem>> -> memref<1x!tpu.dma_semaphore, #tpu.memory_space<semaphore_mem>>
          %dma_start3A_275 = tpu.memref_squeeze %dma_start3A_274 : memref<1x!tpu.dma_semaphore, #tpu.memory_space<semaphore_mem>> -> memref<!tpu.dma_semaphore, #tpu.memory_space<semaphore_mem>>
          %dma_start3A_276 = arith.constant 0 : i32
          %dma_start3A_277 = arith.constant 0 : i32
          %dma_start3A_278 = tpu.memref_slice %run_scoped3A[%rem3A_265, %dma_start3A_276, %dma_start3A_277] : memref<2x1x128xi32, #tpu.memory_space<vmem>> -> memref<1x1x128xi32, #tpu.memory_space<vmem>>
          %dma_start3A_279 = tpu.memref_squeeze %dma_start3A_278 : memref<1x1x128xi32, #tpu.memory_space<vmem>> -> memref<1x128xi32, #tpu.memory_space<vmem>>
          %dma_start3A_280 = arith.constant 0 : i32
          %dma_start3A_281 = tpu.memref_slice %arg3[%dma_start3A_280, %mul3A_267] : memref<1x131072xi32, #tpu.memory_space<hbm>> -> memref<1x128xi32, #tpu.memory_space<hbm>>
          tpu.enqueue_dma source(%dma_start3A_281 : memref<1x128xi32, #tpu.memory_space<hbm>>) target(%dma_start3A_279 : memref<1x128xi32, #tpu.memory_space<vmem>>) target_semaphore(%dma_start3A_275 : memref<!tpu.dma_semaphore, #tpu.memory_space<semaphore_mem>>)
          "tpu.trace_stop"() : () -> ()
        } else {
        }
        %and3A_163 = arith.constant true
        %and3A_164 = arith.andi %and3A, %and3A_163 : i1
        %add3A_165 = arith.constant 1 : i32
        %add3A_166 = arith.addi %scan3A_122, %add3A_165 : i32
        %select_n3A_167 = arith.select %and3A_164, %add3A_166, %scan3A_122 : i32
        %ne3A_168 = arith.cmpi ne, %add3A_131, %add3A_149 : i32
        %or3A_169 = arith.constant false
        %or3A_170 = arith.ori %or3A_169, %ne3A_168 : i1
        %or3A_171 = arith.constant false
        %or3A_172 = arith.ori %or3A_170, %or3A_171 : i1
        %ge3A_173 = arith.constant 31 : i32
        %ge3A_174 = arith.cmpi sge, %scan3A_121, %ge3A_173 : i32
        %not3A_175 = arith.constant true
        %not3A_176 = arith.xori %ge3A_174, %not3A_175 : i1
        %and3A_177 = arith.andi %or3A_172, %not3A_176 : i1
        %ne3A_178 = arith.cmpi ne, %add3A_131, %add3A_140 : i32
        %or3A_179 = arith.constant false
        %or3A_180 = arith.ori %or3A_179, %ne3A_178 : i1
        %or3A_181 = arith.ori %or3A_180, %eq3A_128 : i1
        %convert_element_type3A_182 = arith.extui %or3A_181 : i1 to i32
        %cond3A_183 = arith.constant 0 : i32
        %cond3A_184 = arith.cmpi ne, %convert_element_type3A_182, %cond3A_183 : i32
        scf.if %cond3A_184 {
          "tpu.trace_start"() <{level = 10 : i32, message = "ep_wait_in"}> : () -> ()
          %mul3A_264 = arith.constant 128 : i32
          %mul3A_265 = arith.muli %mul3A_264, %add3A_131 : i32
          %rem3A_266 = arith.constant 2 : i32
          %rem3A_267 = arith.remui %scan3A_123, %rem3A_266 : i32
          %dma_wait3A_268 = arith.constant 0 : i32
          %dma_wait3A_269 = arith.constant 0 : i32
          %dma_wait3A_270 = tpu.memref_slice %run_scoped3A[%rem3A_267, %dma_wait3A_268, %dma_wait3A_269] : memref<2x1x128xi32, #tpu.memory_space<vmem>> -> memref<1x1x128xi32, #tpu.memory_space<vmem>>
          %dma_wait3A_271 = tpu.memref_squeeze %dma_wait3A_270 : memref<1x1x128xi32, #tpu.memory_space<vmem>> -> memref<1x128xi32, #tpu.memory_space<vmem>>
          %dma_wait3A_272 = arith.constant 0 : i32
          %dma_wait3A_273 = tpu.memref_slice %arg3[%dma_wait3A_272, %mul3A_265] : memref<1x131072xi32, #tpu.memory_space<hbm>> -> memref<1x128xi32, #tpu.memory_space<hbm>>
          %dma_wait3A_274 = tpu.memref_slice %run_scoped3A_7[%rem3A_267] : memref<2x!tpu.dma_semaphore, #tpu.memory_space<semaphore_mem>> -> memref<1x!tpu.dma_semaphore, #tpu.memory_space<semaphore_mem>>
          %dma_wait3A_275 = tpu.memref_squeeze %dma_wait3A_274 : memref<1x!tpu.dma_semaphore, #tpu.memory_space<semaphore_mem>> -> memref<!tpu.dma_semaphore, #tpu.memory_space<semaphore_mem>>
          %dma_wait3A_276 = arith.constant 0 : i32
          %dma_wait3A_277 = arith.constant 0 : i32
          %dma_wait3A_278 = tpu.memref_slice %run_scoped3A[%rem3A_267, %dma_wait3A_276, %dma_wait3A_277] : memref<2x1x128xi32, #tpu.memory_space<vmem>> -> memref<1x1x128xi32, #tpu.memory_space<vmem>>
          %dma_wait3A_279 = tpu.memref_squeeze %dma_wait3A_278 : memref<1x1x128xi32, #tpu.memory_space<vmem>> -> memref<1x128xi32, #tpu.memory_space<vmem>>
          %dma_wait3A_280 = arith.constant 0 : i32
          %dma_wait3A_281 = tpu.memref_slice %arg3[%dma_wait3A_280, %mul3A_265] : memref<1x131072xi32, #tpu.memory_space<hbm>> -> memref<1x128xi32, #tpu.memory_space<hbm>>
          tpu.wait_dma2 semaphore(%dma_wait3A_275 : memref<!tpu.dma_semaphore, #tpu.memory_space<semaphore_mem>>) src(%dma_wait3A_281 : memref<1x128xi32, #tpu.memory_space<hbm>>) dst(%dma_wait3A_279 : memref<1x128xi32, #tpu.memory_space<vmem>>)
          "tpu.trace_stop"() : () -> ()
        } else {
        }
        %ne3A_185 = arith.cmpi ne, %add3A_131, %add3A_140 : i32
        %or3A_186 = arith.constant false
        %or3A_187 = arith.ori %or3A_186, %ne3A_185 : i1
        %or3A_188 = arith.constant false
        %or3A_189 = arith.ori %or3A_187, %or3A_188 : i1
        %or3A_190 = arith.ori %or3A_189, %eq3A_128 : i1
        %convert_element_type3A_191 = arith.extui %or3A_190 : i1 to i32
        %cond3A_192 = arith.constant 0 : i32
        %cond3A_193 = arith.cmpi ne, %convert_element_type3A_191, %cond3A_192 : i32
        scf.if %cond3A_193 {
        } else {
        }
        %rem3A_194 = arith.constant 2 : i32
        %rem3A_195 = arith.remui %scan3A_123, %rem3A_194 : i32
        %rem3A_196 = arith.constant 2 : i32
        %rem3A_197 = arith.remui %scan3A_124, %rem3A_196 : i32
        %run_scoped3A_198 = arith.constant 0 : i32
        "tpu.trace_start"() <{level = 10 : i32, message = "ep_run_kernel"}> : () -> ()
        "tpu.region"() ({
          %run_scoped3A_264 = tpu.sem_alloc : memref<!tpu.dma_semaphore, #tpu.memory_space<semaphore_mem>>
          %dma_start3A_265 = arith.constant 0 : i32
          %dma_start3A_266 = arith.constant 0 : i32
          %dma_start3A_267 = tpu.memref_slice %run_scoped3A_8[%rem3A_197, %dma_start3A_265, %dma_start3A_266] : memref<2x128x128xf32, #tpu.memory_space<vmem>> -> memref<1x128x128xf32, #tpu.memory_space<vmem>>
          %dma_start3A_268 = tpu.memref_squeeze %dma_start3A_267 : memref<1x128x128xf32, #tpu.memory_space<vmem>> -> memref<128x128xf32, #tpu.memory_space<vmem>>
          %dma_start3A_269 = arith.constant 0 : i32
          %dma_start3A_270 = arith.constant 0 : i32
          %dma_start3A_271 = tpu.memref_slice %run_scoped3A[%rem3A_195, %dma_start3A_269, %dma_start3A_270] : memref<2x1x128xi32, #tpu.memory_space<vmem>> -> memref<1x1x128xi32, #tpu.memory_space<vmem>>
          %dma_start3A_272 = tpu.memref_squeeze %dma_start3A_271 : memref<1x1x128xi32, #tpu.memory_space<vmem>> -> memref<1x128xi32, #tpu.memory_space<vmem>>
          %dma_start3A_273 = arith.constant 0 : i32
          %dma_start3A_274 = tpu.memref_slice %dma_start3A_272[%run_scoped3A_198, %dma_start3A_273] : memref<1x128xi32, #tpu.memory_space<vmem>> -> memref<1x128xi32, #tpu.memory_space<vmem>>
          %dma_start3A_275 = tpu.memref_squeeze %dma_start3A_274 : memref<1x128xi32, #tpu.memory_space<vmem>> -> memref<128xi32, #tpu.memory_space<vmem>>
          %dma_start3A_276 = arith.constant 0 : i32
          %dma_start3A_277 = arith.constant 0 : i32
          %dma_start3A_278 = tpu.memref_slice %arg2[%dma_start3A_276, %dma_start3A_277] : memref<65536x128xf32, #tpu.memory_space<hbm>> -> memref<65536x128xf32, #tpu.memory_space<hbm>>
          tpu.enqueue_indirect_dma source(%dma_start3A_278 : memref<65536x128xf32, #tpu.memory_space<hbm>>) target(%dma_start3A_268 : memref<128x128xf32, #tpu.memory_space<vmem>>) offsets(%dma_start3A_275 : memref<128xi32, #tpu.memory_space<vmem>>) semaphore(%run_scoped3A_264 : memref<!tpu.dma_semaphore, #tpu.memory_space<semaphore_mem>>)
          %dma_wait3A_279 = arith.constant 0 : i32
          %dma_wait3A_280 = arith.constant 0 : i32
          %dma_wait3A_281 = tpu.memref_slice %run_scoped3A_8[%rem3A_197, %dma_wait3A_279, %dma_wait3A_280] : memref<2x128x128xf32, #tpu.memory_space<vmem>> -> memref<1x128x128xf32, #tpu.memory_space<vmem>>
          %dma_wait3A_282 = tpu.memref_squeeze %dma_wait3A_281 : memref<1x128x128xf32, #tpu.memory_space<vmem>> -> memref<128x128xf32, #tpu.memory_space<vmem>>
          %dma_wait3A_283 = arith.constant 0 : i32
          %dma_wait3A_284 = arith.constant 0 : i32
          %dma_wait3A_285 = tpu.memref_slice %run_scoped3A[%rem3A_195, %dma_wait3A_283, %dma_wait3A_284] : memref<2x1x128xi32, #tpu.memory_space<vmem>> -> memref<1x1x128xi32, #tpu.memory_space<vmem>>
          %dma_wait3A_286 = tpu.memref_squeeze %dma_wait3A_285 : memref<1x1x128xi32, #tpu.memory_space<vmem>> -> memref<1x128xi32, #tpu.memory_space<vmem>>
          %dma_wait3A_287 = arith.constant 0 : i32
          %dma_wait3A_288 = tpu.memref_slice %dma_wait3A_286[%run_scoped3A_198, %dma_wait3A_287] : memref<1x128xi32, #tpu.memory_space<vmem>> -> memref<1x128xi32, #tpu.memory_space<vmem>>
          %dma_wait3A_289 = tpu.memref_squeeze %dma_wait3A_288 : memref<1x128xi32, #tpu.memory_space<vmem>> -> memref<128xi32, #tpu.memory_space<vmem>>
          %dma_wait3A_290 = arith.constant 0 : i32
          %dma_wait3A_291 = arith.constant 0 : i32
          %dma_wait3A_292 = tpu.memref_slice %arg2[%dma_wait3A_290, %dma_wait3A_291] : memref<65536x128xf32, #tpu.memory_space<hbm>> -> memref<65536x128xf32, #tpu.memory_space<hbm>>
          tpu.wait_indirect_dma semaphore(%run_scoped3A_264 : memref<!tpu.dma_semaphore, #tpu.memory_space<semaphore_mem>>) src(%dma_wait3A_292 : memref<65536x128xf32, #tpu.memory_space<hbm>>) dst(%dma_wait3A_282 : memref<128x128xf32, #tpu.memory_space<vmem>>)
          tpu.yield
        }) : () -> ()
        "tpu.trace_stop"() : () -> ()
        %ne3A_199 = arith.cmpi ne, %add3A_131, %add3A_149 : i32
        %or3A_200 = arith.constant false
        %or3A_201 = arith.ori %or3A_200, %ne3A_199 : i1
        %or3A_202 = arith.ori %or3A_201, %eq3A_130 : i1
        %convert_element_type3A_203 = arith.extui %or3A_202 : i1 to i32
        %cond3A_204 = arith.constant 0 : i32
        %cond3A_205 = arith.cmpi ne, %convert_element_type3A_203, %cond3A_204 : i32
        scf.if %cond3A_205 {
        } else {
        }
        %and3A_206 = arith.constant false
        %and3A_207 = arith.andi %or3A_202, %and3A_206 : i1
        %ne3A_208 = arith.cmpi ne, %add3A_131, %add3A_149 : i32
        %or3A_209 = arith.constant false
        %or3A_210 = arith.ori %or3A_209, %ne3A_208 : i1
        %or3A_211 = arith.constant false
        %or3A_212 = arith.ori %or3A_210, %or3A_211 : i1
        %or3A_213 = arith.ori %or3A_212, %eq3A_130 : i1
        %convert_element_type3A_214 = arith.extui %or3A_213 : i1 to i32
        %cond3A_215 = arith.constant 0 : i32
        %cond3A_216 = arith.cmpi ne, %convert_element_type3A_214, %cond3A_215 : i32
        scf.if %cond3A_216 {
          "tpu.trace_start"() <{level = 10 : i32, message = "ep_copy_out"}> : () -> ()
          %rem3A_264 = arith.constant 2 : i32
          %rem3A_265 = arith.remui %scan3A_124, %rem3A_264 : i32
          %mul3A_266 = arith.constant 128 : i32
          %mul3A_267 = arith.muli %mul3A_266, %add3A_131 : i32
          %dma_start3A_268 = arith.constant 0 : i32
          %dma_start3A_269 = arith.constant 0 : i32
          %dma_start3A_270 = tpu.memref_slice %run_scoped3A_8[%rem3A_265, %dma_start3A_268, %dma_start3A_269] : memref<2x128x128xf32, #tpu.memory_space<vmem>> -> memref<1x128x128xf32, #tpu.memory_space<vmem>>
          %dma_start3A_271 = tpu.memref_squeeze %dma_start3A_270 : memref<1x128x128xf32, #tpu.memory_space<vmem>> -> memref<128x128xf32, #tpu.memory_space<vmem>>
          %dma_start3A_272 = arith.constant 0 : i32
          %dma_start3A_273 = tpu.memref_slice %arg4[%mul3A_267, %dma_start3A_272] : memref<131072x128xf32, #tpu.memory_space<hbm>> -> memref<128x128xf32, #tpu.memory_space<hbm>>
          %dma_start3A_274 = tpu.memref_slice %run_scoped3A_9[%rem3A_265] : memref<2x!tpu.dma_semaphore, #tpu.memory_space<semaphore_mem>> -> memref<1x!tpu.dma_semaphore, #tpu.memory_space<semaphore_mem>>
          %dma_start3A_275 = tpu.memref_squeeze %dma_start3A_274 : memref<1x!tpu.dma_semaphore, #tpu.memory_space<semaphore_mem>> -> memref<!tpu.dma_semaphore, #tpu.memory_space<semaphore_mem>>
          %dma_start3A_276 = arith.constant 0 : i32
          %dma_start3A_277 = tpu.memref_slice %arg4[%mul3A_267, %dma_start3A_276] : memref<131072x128xf32, #tpu.memory_space<hbm>> -> memref<128x128xf32, #tpu.memory_space<hbm>>
          %dma_start3A_278 = arith.constant 0 : i32
          %dma_start3A_279 = arith.constant 0 : i32
          %dma_start3A_280 = tpu.memref_slice %run_scoped3A_8[%rem3A_265, %dma_start3A_278, %dma_start3A_279] : memref<2x128x128xf32, #tpu.memory_space<vmem>> -> memref<1x128x128xf32, #tpu.memory_space<vmem>>
          %dma_start3A_281 = tpu.memref_squeeze %dma_start3A_280 : memref<1x128x128xf32, #tpu.memory_space<vmem>> -> memref<128x128xf32, #tpu.memory_space<vmem>>
          tpu.enqueue_dma source(%dma_start3A_281 : memref<128x128xf32, #tpu.memory_space<vmem>>) target(%dma_start3A_277 : memref<128x128xf32, #tpu.memory_space<hbm>>) target_semaphore(%dma_start3A_275 : memref<!tpu.dma_semaphore, #tpu.memory_space<semaphore_mem>>)
          "tpu.trace_stop"() : () -> ()
        } else {
        }
        %and3A_217 = arith.constant true
        %and3A_218 = arith.andi %or3A_213, %and3A_217 : i1
        %add3A_219 = arith.constant 1 : i32
        %add3A_220 = arith.addi %scan3A_124, %add3A_219 : i32
        %select_n3A_221 = arith.select %and3A_218, %add3A_220, %scan3A_124 : i32
        %ne3A_222 = arith.cmpi ne, %add3A_131, %add3A_140 : i32
        %or3A_223 = arith.constant false
        %or3A_224 = arith.ori %or3A_223, %ne3A_222 : i1
        %not3A_225 = arith.constant true
        %not3A_226 = arith.xori %eq3A_128, %not3A_225 : i1
        %and3A_227 = arith.andi %or3A_224, %not3A_226 : i1
        %convert_element_type3A_228 = arith.extui %and3A_227 : i1 to i32
        %cond3A_229 = arith.constant 0 : i32
        %cond3A_230 = arith.cmpi ne, %convert_element_type3A_228, %cond3A_229 : i32
        scf.if %cond3A_230 {
        } else {
        }
        %and3A_231 = arith.constant false
        %and3A_232 = arith.andi %and3A_227, %and3A_231 : i1
        %ne3A_233 = arith.cmpi ne, %add3A_131, %add3A_140 : i32
        %or3A_234 = arith.constant false
        %or3A_235 = arith.ori %or3A_234, %ne3A_233 : i1
        %or3A_236 = arith.constant false
        %or3A_237 = arith.ori %or3A_235, %or3A_236 : i1
        %not3A_238 = arith.constant true
        %not3A_239 = arith.xori %eq3A_128, %not3A_238 : i1
        %and3A_240 = arith.andi %or3A_237, %not3A_239 : i1
        %convert_element_type3A_241 = arith.extui %and3A_240 : i1 to i32
        %cond3A_242 = arith.constant 0 : i32
        %cond3A_243 = arith.cmpi ne, %convert_element_type3A_241, %cond3A_242 : i32
        scf.if %cond3A_243 {
          "tpu.trace_start"() <{level = 10 : i32, message = "ep_wait_out"}> : () -> ()
          %rem3A_264 = arith.constant 2 : i32
          %rem3A_265 = arith.remui %scan3A_125, %rem3A_264 : i32
          %mul3A_266 = arith.constant 128 : i32
          %mul3A_267 = arith.muli %mul3A_266, %add3A_140 : i32
          %dma_wait3A_268 = arith.constant 0 : i32
          %dma_wait3A_269 = arith.constant 0 : i32
          %dma_wait3A_270 = tpu.memref_slice %run_scoped3A_8[%rem3A_265, %dma_wait3A_268, %dma_wait3A_269] : memref<2x128x128xf32, #tpu.memory_space<vmem>> -> memref<1x128x128xf32, #tpu.memory_space<vmem>>
          %dma_wait3A_271 = tpu.memref_squeeze %dma_wait3A_270 : memref<1x128x128xf32, #tpu.memory_space<vmem>> -> memref<128x128xf32, #tpu.memory_space<vmem>>
          %dma_wait3A_272 = arith.constant 0 : i32
          %dma_wait3A_273 = tpu.memref_slice %arg4[%mul3A_267, %dma_wait3A_272] : memref<131072x128xf32, #tpu.memory_space<hbm>> -> memref<128x128xf32, #tpu.memory_space<hbm>>
          %dma_wait3A_274 = tpu.memref_slice %run_scoped3A_9[%rem3A_265] : memref<2x!tpu.dma_semaphore, #tpu.memory_space<semaphore_mem>> -> memref<1x!tpu.dma_semaphore, #tpu.memory_space<semaphore_mem>>
          %dma_wait3A_275 = tpu.memref_squeeze %dma_wait3A_274 : memref<1x!tpu.dma_semaphore, #tpu.memory_space<semaphore_mem>> -> memref<!tpu.dma_semaphore, #tpu.memory_space<semaphore_mem>>
          %dma_wait3A_276 = arith.constant 0 : i32
          %dma_wait3A_277 = tpu.memref_slice %arg4[%mul3A_267, %dma_wait3A_276] : memref<131072x128xf32, #tpu.memory_space<hbm>> -> memref<128x128xf32, #tpu.memory_space<hbm>>
          %dma_wait3A_278 = arith.constant 0 : i32
          %dma_wait3A_279 = arith.constant 0 : i32
          %dma_wait3A_280 = tpu.memref_slice %run_scoped3A_8[%rem3A_265, %dma_wait3A_278, %dma_wait3A_279] : memref<2x128x128xf32, #tpu.memory_space<vmem>> -> memref<1x128x128xf32, #tpu.memory_space<vmem>>
          %dma_wait3A_281 = tpu.memref_squeeze %dma_wait3A_280 : memref<1x128x128xf32, #tpu.memory_space<vmem>> -> memref<128x128xf32, #tpu.memory_space<vmem>>
          tpu.wait_dma2 semaphore(%dma_wait3A_275 : memref<!tpu.dma_semaphore, #tpu.memory_space<semaphore_mem>>) src(%dma_wait3A_281 : memref<128x128xf32, #tpu.memory_space<vmem>>) dst(%dma_wait3A_277 : memref<128x128xf32, #tpu.memory_space<hbm>>)
          "tpu.trace_stop"() : () -> ()
        } else {
        }
        %and3A_244 = arith.constant true
        %and3A_245 = arith.andi %and3A_240, %and3A_244 : i1
        %add3A_246 = arith.constant 1 : i32
        %add3A_247 = arith.addi %scan3A_125, %add3A_246 : i32
        %select_n3A_248 = arith.select %and3A_245, %add3A_247, %scan3A_125 : i32
        %ne3A_249 = arith.cmpi ne, %add3A_131, %add3A_149 : i32
        %or3A_250 = arith.constant false
        %or3A_251 = arith.ori %or3A_250, %ne3A_249 : i1
        %or3A_252 = arith.ori %or3A_251, %eq3A_130 : i1
        %add3A_253 = arith.constant 1 : i32
        %add3A_254 = arith.addi %scan3A_123, %add3A_253 : i32
        %select_n3A_255 = arith.select %or3A_252, %add3A_254, %scan3A_123 : i32
        %add3A_256 = arith.constant 1 : i32
        %add3A_257 = arith.addi %scan3A_126, %add3A_256 : i32
        %select_n3A_258 = arith.constant true
        %select_n3A_259 = arith.select %select_n3A_258, %add3A_257, %scan3A_126 : i32
        %eq3A_260 = arith.constant 32 : i32
        %eq3A_261 = arith.cmpi eq, %select_n3A_259, %eq3A_260 : i32
        %select_n3A_262 = arith.constant 0 : i32
        %select_n3A_263 = arith.select %eq3A_261, %select_n3A_262, %select_n3A_259 : i32
        scf.yield %select_n3A_167, %select_n3A_255, %select_n3A_221, %select_n3A_248, %select_n3A_263 : i32, i32, i32, i32, i32
      }
      %scan3A_68 = arith.constant 32 : i32
      %sub3A = arith.constant 1 : i32
      %sub3A_69 = arith.subi %scan3A_67#4, %sub3A : i32
      %select_n3A_70 = arith.constant true
      %select_n3A_71 = arith.select %select_n3A_70, %sub3A_69, %scan3A_67#4 : i32
      %eq3A_72 = arith.constant -1 : i32
      %eq3A_73 = arith.cmpi eq, %select_n3A_71, %eq3A_72 : i32
      %select_n3A_74 = arith.constant 31 : i32
      %select_n3A_75 = arith.select %eq3A_73, %select_n3A_74, %select_n3A_71 : i32
      %add3A_76 = arith.addi %select_n3A_75, %mul3A_6 : i32
      %sub3A_77 = arith.constant 1 : i32
      %sub3A_78 = arith.subi %select_n3A_75, %sub3A_77 : i32
      %select_n3A_79 = arith.constant true
      %select_n3A_80 = arith.select %select_n3A_79, %sub3A_78, %select_n3A_75 : i32
      %eq3A_81 = arith.constant -1 : i32
      %eq3A_82 = arith.cmpi eq, %select_n3A_80, %eq3A_81 : i32
      %select_n3A_83 = arith.constant 31 : i32
      %select_n3A_84 = arith.select %eq3A_82, %select_n3A_83, %select_n3A_80 : i32
      %add3A_85 = arith.addi %select_n3A_84, %mul3A_6 : i32
      %add3A_86 = arith.constant 1 : i32
      %add3A_87 = arith.addi %select_n3A_75, %add3A_86 : i32
      %select_n3A_88 = arith.constant true
      %select_n3A_89 = arith.select %select_n3A_88, %add3A_87, %select_n3A_75 : i32
      %eq3A_90 = arith.constant 32 : i32
      %eq3A_91 = arith.cmpi eq, %select_n3A_89, %eq3A_90 : i32
      %select_n3A_92 = arith.constant 0 : i32
      %select_n3A_93 = arith.select %eq3A_91, %select_n3A_92, %select_n3A_89 : i32
      %add3A_94 = arith.addi %select_n3A_93, %mul3A_6 : i32
      %add3A_95 = arith.constant 1 : i32
      %add3A_96 = arith.addi %select_n3A_93, %add3A_95 : i32
      %select_n3A_97 = arith.constant true
      %select_n3A_98 = arith.select %select_n3A_97, %add3A_96, %select_n3A_93 : i32
      %eq3A_99 = arith.constant 32 : i32
      %eq3A_100 = arith.cmpi eq, %select_n3A_98, %eq3A_99 : i32
      %select_n3A_101 = arith.constant 0 : i32
      %select_n3A_102 = arith.select %eq3A_100, %select_n3A_101, %select_n3A_98 : i32
      %add3A_103 = arith.addi %select_n3A_102, %mul3A_6 : i32
      "tpu.trace_start"() <{level = 10 : i32, message = "ep_finalize"}> : () -> ()
      %rem3A_104 = arith.constant 2 : i32
      %rem3A_105 = arith.remui %scan3A_67#3, %rem3A_104 : i32
      %mul3A_106 = arith.constant 128 : i32
      %mul3A_107 = arith.muli %mul3A_106, %add3A_76 : i32
      %dma_wait3A = arith.constant 0 : i32
      %dma_wait3A_108 = arith.constant 0 : i32
      %dma_wait3A_109 = tpu.memref_slice %run_scoped3A_8[%rem3A_105, %dma_wait3A, %dma_wait3A_108] : memref<2x128x128xf32, #tpu.memory_space<vmem>> -> memref<1x128x128xf32, #tpu.memory_space<vmem>>
      %dma_wait3A_110 = tpu.memref_squeeze %dma_wait3A_109 : memref<1x128x128xf32, #tpu.memory_space<vmem>> -> memref<128x128xf32, #tpu.memory_space<vmem>>
      %dma_wait3A_111 = arith.constant 0 : i32
      %dma_wait3A_112 = tpu.memref_slice %arg4[%mul3A_107, %dma_wait3A_111] : memref<131072x128xf32, #tpu.memory_space<hbm>> -> memref<128x128xf32, #tpu.memory_space<hbm>>
      %dma_wait3A_113 = tpu.memref_slice %run_scoped3A_9[%rem3A_105] : memref<2x!tpu.dma_semaphore, #tpu.memory_space<semaphore_mem>> -> memref<1x!tpu.dma_semaphore, #tpu.memory_space<semaphore_mem>>
      %dma_wait3A_114 = tpu.memref_squeeze %dma_wait3A_113 : memref<1x!tpu.dma_semaphore, #tpu.memory_space<semaphore_mem>> -> memref<!tpu.dma_semaphore, #tpu.memory_space<semaphore_mem>>
      %dma_wait3A_115 = arith.constant 0 : i32
      %dma_wait3A_116 = tpu.memref_slice %arg4[%mul3A_107, %dma_wait3A_115] : memref<131072x128xf32, #tpu.memory_space<hbm>> -> memref<128x128xf32, #tpu.memory_space<hbm>>
      %dma_wait3A_117 = arith.constant 0 : i32
      %dma_wait3A_118 = arith.constant 0 : i32
      %dma_wait3A_119 = tpu.memref_slice %run_scoped3A_8[%rem3A_105, %dma_wait3A_117, %dma_wait3A_118] : memref<2x128x128xf32, #tpu.memory_space<vmem>> -> memref<1x128x128xf32, #tpu.memory_space<vmem>>
      %dma_wait3A_120 = tpu.memref_squeeze %dma_wait3A_119 : memref<1x128x128xf32, #tpu.memory_space<vmem>> -> memref<128x128xf32, #tpu.memory_space<vmem>>
      tpu.wait_dma2 semaphore(%dma_wait3A_114 : memref<!tpu.dma_semaphore, #tpu.memory_space<semaphore_mem>>) src(%dma_wait3A_120 : memref<128x128xf32, #tpu.memory_space<vmem>>) dst(%dma_wait3A_116 : memref<128x128xf32, #tpu.memory_space<hbm>>)
      "tpu.trace_stop"() : () -> ()
      tpu.yield
    }) : () -> ()
    return
  }
}

module attributes {stable_mosaic.version = 14 : i64} {
  func.func @_fps_body(%arg0: memref<16x4096xf32, #tpu.memory_space<vmem>>, %arg1: memref<16x4096xf32, #tpu.memory_space<vmem>>, %arg2: memref<16x4096xf32, #tpu.memory_space<vmem>>, %arg3: memref<16x512xf32, #tpu.memory_space<vmem>>, %arg4: memref<16x512xf32, #tpu.memory_space<vmem>>, %arg5: memref<16x512xf32, #tpu.memory_space<vmem>>, %arg6: memref<16x4096xf32, #tpu.memory_space<vmem>>) attributes {dimension_semantics = [], scalar_prefetch = 0 : i64, scratch_operands = 1 : i64, tpu.core_type = #tpu.core_type<tc>} {
    %iota3A = tpu.iota {dimensions = array<i32: 1>} : vector<16x4096xi32>
    %iota3A_0 = tpu.iota {dimensions = array<i32: 1>} : vector<16x512xi32>
    %broadcast_in_dim3A = arith.constant 0.000000e+00 : f32
    %broadcast_in_dim3A_1 = vector.broadcast %broadcast_in_dim3A : f32 to vector<16x512xf32>
    %swap3A = arith.constant 0 : index
    %swap3A_2 = arith.constant 0 : index
    %swap3A_3 = vector.load %arg3[%swap3A, %swap3A_2] : memref<16x512xf32, #tpu.memory_space<vmem>>, vector<16x512xf32>
    tpu.vector_store %arg3[%swap3A, %swap3A_2], %broadcast_in_dim3A_1 {strides = array<i32>} : memref<16x512xf32, #tpu.memory_space<vmem>>, vector<16x512xf32>,
    %broadcast_in_dim3A_4 = arith.constant 0.000000e+00 : f32
    %broadcast_in_dim3A_5 = vector.broadcast %broadcast_in_dim3A_4 : f32 to vector<16x512xf32>
    %swap3A_6 = arith.constant 0 : index
    %swap3A_7 = arith.constant 0 : index
    %swap3A_8 = vector.load %arg4[%swap3A_6, %swap3A_7] : memref<16x512xf32, #tpu.memory_space<vmem>>, vector<16x512xf32>
    tpu.vector_store %arg4[%swap3A_6, %swap3A_7], %broadcast_in_dim3A_5 {strides = array<i32>} : memref<16x512xf32, #tpu.memory_space<vmem>>, vector<16x512xf32>,
    %broadcast_in_dim3A_9 = arith.constant 0.000000e+00 : f32
    %broadcast_in_dim3A_10 = vector.broadcast %broadcast_in_dim3A_9 : f32 to vector<16x512xf32>
    %swap3A_11 = arith.constant 0 : index
    %swap3A_12 = arith.constant 0 : index
    %swap3A_13 = vector.load %arg5[%swap3A_11, %swap3A_12] : memref<16x512xf32, #tpu.memory_space<vmem>>, vector<16x512xf32>
    tpu.vector_store %arg5[%swap3A_11, %swap3A_12], %broadcast_in_dim3A_10 {strides = array<i32>} : memref<16x512xf32, #tpu.memory_space<vmem>>, vector<16x512xf32>,
    %broadcast_in_dim3A_14 = arith.constant 1.000000e+10 : f32
    %broadcast_in_dim3A_15 = vector.broadcast %broadcast_in_dim3A_14 : f32 to vector<16x4096xf32>
    %swap3A_16 = arith.constant 0 : index
    %swap3A_17 = arith.constant 0 : index
    %swap3A_18 = vector.load %arg6[%swap3A_16, %swap3A_17] : memref<16x4096xf32, #tpu.memory_space<vmem>>, vector<16x4096xf32>
    tpu.vector_store %arg6[%swap3A_16, %swap3A_17], %broadcast_in_dim3A_15 {strides = array<i32>} : memref<16x4096xf32, #tpu.memory_space<vmem>>, vector<16x4096xf32>,
    %get3A = arith.constant 0 : index
    %get3A_19 = arith.constant 0 : index
    %get3A_20 = vector.load %arg0[%get3A, %get3A_19] : memref<16x4096xf32, #tpu.memory_space<vmem>>, vector<16x1xf32>
    %get3A_21 = arith.constant 0 : index
    %get3A_22 = arith.constant 0 : index
    %get3A_23 = vector.load %arg1[%get3A_21, %get3A_22] : memref<16x4096xf32, #tpu.memory_space<vmem>>, vector<16x1xf32>
    %get3A_24 = arith.constant 0 : index
    %get3A_25 = arith.constant 0 : index
    %get3A_26 = vector.load %arg2[%get3A_24, %get3A_25] : memref<16x4096xf32, #tpu.memory_space<vmem>>, vector<16x1xf32>
    %scan3A = arith.constant 0 : i32
    %scan3A_27 = arith.constant 512 : i32
    %scan3A_28 = arith.addi %scan3A, %scan3A_27 : i32
    %scan3A_29 = arith.constant 1 : i32
    %scan3A_30:3 = scf.for %scan3A_32 = %scan3A to %scan3A_28 step %scan3A_29 iter_args(%scan3A_33 = %get3A_20, %scan3A_34 = %get3A_23, %scan3A_35 = %get3A_26) -> (vector<16x1xf32>, vector<16x1xf32>, vector<16x1xf32>)  : i32 {
      %eq3A = vector.broadcast %scan3A_32 : i32 to vector<16x512xi32>
      %eq3A_36 = arith.cmpi eq, %iota3A_0, %eq3A : vector<16x512xi32>
      %convert_element_type3A = arith.extui %eq3A_36 : vector<16x512xi1> to vector<16x512xi32>
      %convert_element_type3A_37 = arith.sitofp %convert_element_type3A : vector<16x512xi32> to vector<16x512xf32>
      %get3A_38 = arith.constant 0 : index
      %get3A_39 = arith.constant 0 : index
      %get3A_40 = vector.load %arg3[%get3A_38, %get3A_39] : memref<16x512xf32, #tpu.memory_space<vmem>>, vector<16x512xf32>
      %mul3A = vector.broadcast %scan3A_33 : vector<16x1xf32> to vector<16x512xf32>
      %mul3A_41 = arith.mulf %mul3A, %convert_element_type3A_37 : vector<16x512xf32>
      %add3A = arith.addf %get3A_40, %mul3A_41 : vector<16x512xf32>
      %swap3A_42 = arith.constant 0 : index
      %swap3A_43 = arith.constant 0 : index
      %swap3A_44 = vector.load %arg3[%swap3A_42, %swap3A_43] : memref<16x512xf32, #tpu.memory_space<vmem>>, vector<16x512xf32>
      tpu.vector_store %arg3[%swap3A_42, %swap3A_43], %add3A {strides = array<i32>} : memref<16x512xf32, #tpu.memory_space<vmem>>, vector<16x512xf32>,
      %get3A_45 = arith.constant 0 : index
      %get3A_46 = arith.constant 0 : index
      %get3A_47 = vector.load %arg4[%get3A_45, %get3A_46] : memref<16x512xf32, #tpu.memory_space<vmem>>, vector<16x512xf32>
      %mul3A_48 = vector.broadcast %scan3A_34 : vector<16x1xf32> to vector<16x512xf32>
      %mul3A_49 = arith.mulf %mul3A_48, %convert_element_type3A_37 : vector<16x512xf32>
      %add3A_50 = arith.addf %get3A_47, %mul3A_49 : vector<16x512xf32>
      %swap3A_51 = arith.constant 0 : index
      %swap3A_52 = arith.constant 0 : index
      %swap3A_53 = vector.load %arg4[%swap3A_51, %swap3A_52] : memref<16x512xf32, #tpu.memory_space<vmem>>, vector<16x512xf32>
      tpu.vector_store %arg4[%swap3A_51, %swap3A_52], %add3A_50 {strides = array<i32>} : memref<16x512xf32, #tpu.memory_space<vmem>>, vector<16x512xf32>,
      %get3A_54 = arith.constant 0 : index
      %get3A_55 = arith.constant 0 : index
      %get3A_56 = vector.load %arg5[%get3A_54, %get3A_55] : memref<16x512xf32, #tpu.memory_space<vmem>>, vector<16x512xf32>
      %mul3A_57 = vector.broadcast %scan3A_35 : vector<16x1xf32> to vector<16x512xf32>
      %mul3A_58 = arith.mulf %mul3A_57, %convert_element_type3A_37 : vector<16x512xf32>
      %add3A_59 = arith.addf %get3A_56, %mul3A_58 : vector<16x512xf32>
      %swap3A_60 = arith.constant 0 : index
      %swap3A_61 = arith.constant 0 : index
      %swap3A_62 = vector.load %arg5[%swap3A_60, %swap3A_61] : memref<16x512xf32, #tpu.memory_space<vmem>>, vector<16x512xf32>
      tpu.vector_store %arg5[%swap3A_60, %swap3A_61], %add3A_59 {strides = array<i32>} : memref<16x512xf32, #tpu.memory_space<vmem>>, vector<16x512xf32>,
      %get3A_63 = arith.constant 0 : index
      %get3A_64 = arith.constant 0 : index
      %get3A_65 = vector.load %arg0[%get3A_63, %get3A_64] : memref<16x4096xf32, #tpu.memory_space<vmem>>, vector<16x4096xf32>
      %get3A_66 = arith.constant 0 : index
      %get3A_67 = arith.constant 0 : index
      %get3A_68 = vector.load %arg1[%get3A_66, %get3A_67] : memref<16x4096xf32, #tpu.memory_space<vmem>>, vector<16x4096xf32>
      %get3A_69 = arith.constant 0 : index
      %get3A_70 = arith.constant 0 : index
      %get3A_71 = vector.load %arg2[%get3A_69, %get3A_70] : memref<16x4096xf32, #tpu.memory_space<vmem>>, vector<16x4096xf32>
      %sub3A = vector.broadcast %scan3A_33 : vector<16x1xf32> to vector<16x4096xf32>
      %sub3A_72 = arith.subf %get3A_65, %sub3A : vector<16x4096xf32>
      %integer_pow3A = arith.mulf %sub3A_72, %sub3A_72 : vector<16x4096xf32>
      %sub3A_73 = vector.broadcast %scan3A_34 : vector<16x1xf32> to vector<16x4096xf32>
      %sub3A_74 = arith.subf %get3A_68, %sub3A_73 : vector<16x4096xf32>
      %integer_pow3A_75 = arith.mulf %sub3A_74, %sub3A_74 : vector<16x4096xf32>
      %add3A_76 = arith.addf %integer_pow3A, %integer_pow3A_75 : vector<16x4096xf32>
      %sub3A_77 = vector.broadcast %scan3A_35 : vector<16x1xf32> to vector<16x4096xf32>
      %sub3A_78 = arith.subf %get3A_71, %sub3A_77 : vector<16x4096xf32>
      %integer_pow3A_79 = arith.mulf %sub3A_78, %sub3A_78 : vector<16x4096xf32>
      %add3A_80 = arith.addf %add3A_76, %integer_pow3A_79 : vector<16x4096xf32>
      %get3A_81 = arith.constant 0 : index
      %get3A_82 = arith.constant 0 : index
      %get3A_83 = vector.load %arg6[%get3A_81, %get3A_82] : memref<16x4096xf32, #tpu.memory_space<vmem>>, vector<16x4096xf32>
      %min3A = arith.minimumf %get3A_83, %add3A_80 : vector<16x4096xf32>
      %swap3A_84 = arith.constant 0 : index
      %swap3A_85 = arith.constant 0 : index
      %swap3A_86 = vector.load %arg6[%swap3A_84, %swap3A_85] : memref<16x4096xf32, #tpu.memory_space<vmem>>, vector<16x4096xf32>
      tpu.vector_store %arg6[%swap3A_84, %swap3A_85], %min3A {strides = array<i32>} : memref<16x4096xf32, #tpu.memory_space<vmem>>, vector<16x4096xf32>,
      %reduce_max3A = arith.constant dense<0xFF800000> : vector<16xf32>
      %reduce_max3A_87 = vector.multi_reduction <maximumf>, %min3A, %reduce_max3A [1] : vector<16x4096xf32> to vector<16xf32>
      %broadcast_in_dim3A_88 = vector.shape_cast %reduce_max3A_87 : vector<16xf32> to vector<16x1xf32>
      %eq3A_89 = vector.broadcast %broadcast_in_dim3A_88 : vector<16x1xf32> to vector<16x4096xf32>
      %eq3A_90 = arith.cmpf oeq, %min3A, %eq3A_89 : vector<16x4096xf32>
      %jit3A = arith.constant 4096 : i32
      %broadcast_in_dim3A_91 = vector.broadcast %jit3A : i32 to vector<16x4096xi32>
      %select_n3A = arith.select %eq3A_90, %iota3A, %broadcast_in_dim3A_91 : vector<16x4096xi1>, vector<16x4096xi32>
      %reduce_min3A = arith.constant dense<2147483647> : vector<16xi32>
      %reduce_min3A_92 = vector.multi_reduction <minsi>, %select_n3A, %reduce_min3A [1] : vector<16x4096xi32> to vector<16xi32>
      %broadcast_in_dim3A_93 = vector.shape_cast %reduce_min3A_92 : vector<16xi32> to vector<16x1xi32>
      %eq3A_94 = vector.broadcast %broadcast_in_dim3A_93 : vector<16x1xi32> to vector<16x4096xi32>
      %eq3A_95 = arith.cmpi eq, %iota3A, %eq3A_94 : vector<16x4096xi32>
      %jit3A_96 = arith.constant 0.000000e+00 : f32
      %broadcast_in_dim3A_97 = vector.broadcast %jit3A_96 : f32 to vector<16x4096xf32>
      %select_n3A_98 = arith.select %eq3A_95, %get3A_65, %broadcast_in_dim3A_97 : vector<16x4096xi1>, vector<16x4096xf32>
      %reduce_sum3A = arith.constant dense<0.000000e+00> : vector<16xf32>
      %reduce_sum3A_99 = vector.multi_reduction <add>, %select_n3A_98, %reduce_sum3A [1] : vector<16x4096xf32> to vector<16xf32>
      %broadcast_in_dim3A_100 = vector.shape_cast %reduce_sum3A_99 : vector<16xf32> to vector<16x1xf32>
      %jit3A_101 = arith.constant 0.000000e+00 : f32
      %broadcast_in_dim3A_102 = vector.broadcast %jit3A_101 : f32 to vector<16x4096xf32>
      %select_n3A_103 = arith.select %eq3A_95, %get3A_68, %broadcast_in_dim3A_102 : vector<16x4096xi1>, vector<16x4096xf32>
      %reduce_sum3A_104 = arith.constant dense<0.000000e+00> : vector<16xf32>
      %reduce_sum3A_105 = vector.multi_reduction <add>, %select_n3A_103, %reduce_sum3A_104 [1] : vector<16x4096xf32> to vector<16xf32>
      %broadcast_in_dim3A_106 = vector.shape_cast %reduce_sum3A_105 : vector<16xf32> to vector<16x1xf32>
      %jit3A_107 = arith.constant 0.000000e+00 : f32
      %broadcast_in_dim3A_108 = vector.broadcast %jit3A_107 : f32 to vector<16x4096xf32>
      %select_n3A_109 = arith.select %eq3A_95, %get3A_71, %broadcast_in_dim3A_108 : vector<16x4096xi1>, vector<16x4096xf32>
      %reduce_sum3A_110 = arith.constant dense<0.000000e+00> : vector<16xf32>
      %reduce_sum3A_111 = vector.multi_reduction <add>, %select_n3A_109, %reduce_sum3A_110 [1] : vector<16x4096xf32> to vector<16xf32>
      %broadcast_in_dim3A_112 = vector.shape_cast %reduce_sum3A_111 : vector<16xf32> to vector<16x1xf32>
      scf.yield %broadcast_in_dim3A_100, %broadcast_in_dim3A_106, %broadcast_in_dim3A_112 : vector<16x1xf32>, vector<16x1xf32>, vector<16x1xf32>
    }
    %scan3A_31 = arith.constant 512 : i32
    return
  }
}

module attributes {stable_mosaic.version = 14 : i64} {
  func.func @_bq_body(%arg0: i32, %arg1: memref<1x512x8xf32, #tpu.memory_space<vmem>>, %arg2: memref<1x8x4096xf32, #tpu.memory_space<vmem>>, %arg3: memref<1x512x16xi32, #tpu.memory_space<vmem>>) attributes {dimension_semantics = [#tpu.dimension_semantics<arbitrary>], iteration_bounds = array<i64: 16>, scalar_prefetch = 0 : i64, scratch_operands = 0 : i64, tpu.core_type = #tpu.core_type<tc>, window_params = [{transform_indices = @transform_0, window_bounds = array<i64: 1, 512, 8>}, {transform_indices = @transform_1, window_bounds = array<i64: 1, 8, 4096>}, {transform_indices = @transform_2, window_bounds = array<i64: 1, 512, 16>}]} {
    %get3A = arith.constant 0 : index
    %get3A_0 = arith.constant 0 : index
    %get3A_1 = arith.constant 0 : index
    %get3A_2 = vector.load %arg1[%get3A, %get3A_0, %get3A_1] : memref<1x512x8xf32, #tpu.memory_space<vmem>>, vector<1x512x8xf32>
    %get3A_3 = vector.shape_cast %get3A_2 : vector<1x512x8xf32> to vector<512x8xf32>
    %get3A_4 = arith.constant 0 : index
    %get3A_5 = arith.constant 0 : index
    %get3A_6 = arith.constant 0 : index
    %get3A_7 = vector.load %arg2[%get3A_4, %get3A_5, %get3A_6] : memref<1x8x4096xf32, #tpu.memory_space<vmem>>, vector<1x8x4096xf32>
    %get3A_8 = vector.shape_cast %get3A_7 : vector<1x8x4096xf32> to vector<8x4096xf32>
    %dot_general3A = arith.constant dense<0.000000e+00> : vector<512x4096xf32>
    %dot_general3A_9 = tpu.matmul %get3A_3, %get3A_8, %dot_general3A {dimension_numbers = #tpu.dot_dimension_numbers<[1], [0], [0], [1], [0, 0, 1, 1], [], []>, transpose_lhs_hint = false} : vector<512x8xf32>, vector<8x4096xf32>, vector<512x4096xf32> -> vector<512x4096xf32>
    %mul3A = arith.constant -2.000000e+00 : f32
    %mul3A_10 = vector.broadcast %mul3A : f32 to vector<512x4096xf32>
    %mul3A_11 = arith.mulf %mul3A_10, %dot_general3A_9 : vector<512x4096xf32>
    %slice3A = vector.extract_strided_slice %get3A_3 {offsets = [0, 0], sizes = [512, 1], strides = [1, 1]} : vector<512x8xf32> to vector<512x1xf32>
    %slice3A_12 = vector.extract_strided_slice %get3A_3 {offsets = [0, 1], sizes = [512, 1], strides = [1, 1]} : vector<512x8xf32> to vector<512x1xf32>
    %slice3A_13 = vector.extract_strided_slice %get3A_3 {offsets = [0, 2], sizes = [512, 1], strides = [1, 1]} : vector<512x8xf32> to vector<512x1xf32>
    %mul3A_14 = arith.mulf %slice3A, %slice3A : vector<512x1xf32>
    %mul3A_15 = arith.mulf %slice3A_12, %slice3A_12 : vector<512x1xf32>
    %add3A = arith.addf %mul3A_14, %mul3A_15 : vector<512x1xf32>
    %mul3A_16 = arith.mulf %slice3A_13, %slice3A_13 : vector<512x1xf32>
    %add3A_17 = arith.addf %add3A, %mul3A_16 : vector<512x1xf32>
    %slice3A_18 = vector.extract_strided_slice %get3A_8 {offsets = [0, 0], sizes = [1, 4096], strides = [1, 1]} : vector<8x4096xf32> to vector<1x4096xf32>
    %slice3A_19 = vector.extract_strided_slice %get3A_8 {offsets = [1, 0], sizes = [1, 4096], strides = [1, 1]} : vector<8x4096xf32> to vector<1x4096xf32>
    %slice3A_20 = vector.extract_strided_slice %get3A_8 {offsets = [2, 0], sizes = [1, 4096], strides = [1, 1]} : vector<8x4096xf32> to vector<1x4096xf32>
    %mul3A_21 = arith.mulf %slice3A_18, %slice3A_18 : vector<1x4096xf32>
    %mul3A_22 = arith.mulf %slice3A_19, %slice3A_19 : vector<1x4096xf32>
    %add3A_23 = arith.addf %mul3A_21, %mul3A_22 : vector<1x4096xf32>
    %mul3A_24 = arith.mulf %slice3A_20, %slice3A_20 : vector<1x4096xf32>
    %add3A_25 = arith.addf %add3A_23, %mul3A_24 : vector<1x4096xf32>
    %add3A_26 = vector.broadcast %add3A_17 : vector<512x1xf32> to vector<512x4096xf32>
    %add3A_27 = arith.addf %mul3A_11, %add3A_26 : vector<512x4096xf32>
    %add3A_28 = vector.broadcast %add3A_25 : vector<1x4096xf32> to vector<512x4096xf32>
    %add3A_29 = arith.addf %add3A_27, %add3A_28 : vector<512x4096xf32>
    %iota3A = tpu.iota {dimensions = array<i32: 1>} : vector<512x4096xi32>
    %le3A = arith.constant 0.00999999977 : f32
    %le3A_30 = vector.broadcast %le3A : f32 to vector<512x4096xf32>
    %le3A_31 = arith.cmpf ole, %add3A_29, %le3A_30 : vector<512x4096xf32>
    %jit3A = arith.constant 4096 : i32
    %broadcast_in_dim3A = vector.broadcast %jit3A : i32 to vector<512x4096xi32>
    %select_n3A = arith.select %le3A_31, %iota3A, %broadcast_in_dim3A : vector<512x4096xi1>, vector<512x4096xi32>
    %iota3A_32 = tpu.iota {dimensions = array<i32: 1>} : vector<512x16xi32>
    %broadcast_in_dim3A_33 = arith.constant 4096 : i32
    %broadcast_in_dim3A_34 = vector.broadcast %broadcast_in_dim3A_33 : i32 to vector<512x16xi32>
    %reduce_min3A = arith.constant dense<2147483647> : vector<512xi32>
    %reduce_min3A_35 = vector.multi_reduction <minsi>, %select_n3A, %reduce_min3A [1] : vector<512x4096xi32> to vector<512xi32>
    %broadcast_in_dim3A_36 = vector.shape_cast %reduce_min3A_35 : vector<512xi32> to vector<512x1xi32>
    %eq3A = arith.constant 0 : i32
    %eq3A_37 = vector.broadcast %eq3A : i32 to vector<512x16xi32>
    %eq3A_38 = arith.cmpi eq, %iota3A_32, %eq3A_37 : vector<512x16xi32>
    %broadcast_in_dim3A_39 = vector.shape_cast %broadcast_in_dim3A_36 : vector<512x1xi32> to vector<512x1xi32>
    %broadcast_in_dim3A_40 = vector.broadcast %broadcast_in_dim3A_39 : vector<512x1xi32> to vector<512x16xi32>
    %select_n3A_41 = arith.select %eq3A_38, %broadcast_in_dim3A_40, %broadcast_in_dim3A_34 : vector<512x16xi1>, vector<512x16xi32>
    %eq3A_42 = vector.broadcast %broadcast_in_dim3A_36 : vector<512x1xi32> to vector<512x4096xi32>
    %eq3A_43 = arith.cmpi eq, %select_n3A, %eq3A_42 : vector<512x4096xi32>
    %jit3A_44 = arith.constant 4096 : i32
    %broadcast_in_dim3A_45 = vector.broadcast %jit3A_44 : i32 to vector<512x4096xi32>
    %select_n3A_46 = arith.select %eq3A_43, %broadcast_in_dim3A_45, %select_n3A : vector<512x4096xi1>, vector<512x4096xi32>
    %reduce_min3A_47 = arith.constant dense<2147483647> : vector<512xi32>
    %reduce_min3A_48 = vector.multi_reduction <minsi>, %select_n3A_46, %reduce_min3A_47 [1] : vector<512x4096xi32> to vector<512xi32>
    %broadcast_in_dim3A_49 = vector.shape_cast %reduce_min3A_48 : vector<512xi32> to vector<512x1xi32>
    %eq3A_50 = arith.constant 1 : i32
    %eq3A_51 = vector.broadcast %eq3A_50 : i32 to vector<512x16xi32>
    %eq3A_52 = arith.cmpi eq, %iota3A_32, %eq3A_51 : vector<512x16xi32>
    %broadcast_in_dim3A_53 = vector.shape_cast %broadcast_in_dim3A_49 : vector<512x1xi32> to vector<512x1xi32>
    %broadcast_in_dim3A_54 = vector.broadcast %broadcast_in_dim3A_53 : vector<512x1xi32> to vector<512x16xi32>
    %select_n3A_55 = arith.select %eq3A_52, %broadcast_in_dim3A_54, %select_n3A_41 : vector<512x16xi1>, vector<512x16xi32>
    %eq3A_56 = vector.broadcast %broadcast_in_dim3A_49 : vector<512x1xi32> to vector<512x4096xi32>
    %eq3A_57 = arith.cmpi eq, %select_n3A_46, %eq3A_56 : vector<512x4096xi32>
    %jit3A_58 = arith.constant 4096 : i32
    %broadcast_in_dim3A_59 = vector.broadcast %jit3A_58 : i32 to vector<512x4096xi32>
    %select_n3A_60 = arith.select %eq3A_57, %broadcast_in_dim3A_59, %select_n3A_46 : vector<512x4096xi1>, vector<512x4096xi32>
    %reduce_min3A_61 = arith.constant dense<2147483647> : vector<512xi32>
    %reduce_min3A_62 = vector.multi_reduction <minsi>, %select_n3A_60, %reduce_min3A_61 [1] : vector<512x4096xi32> to vector<512xi32>
    %broadcast_in_dim3A_63 = vector.shape_cast %reduce_min3A_62 : vector<512xi32> to vector<512x1xi32>
    %eq3A_64 = arith.constant 2 : i32
    %eq3A_65 = vector.broadcast %eq3A_64 : i32 to vector<512x16xi32>
    %eq3A_66 = arith.cmpi eq, %iota3A_32, %eq3A_65 : vector<512x16xi32>
    %broadcast_in_dim3A_67 = vector.shape_cast %broadcast_in_dim3A_63 : vector<512x1xi32> to vector<512x1xi32>
    %broadcast_in_dim3A_68 = vector.broadcast %broadcast_in_dim3A_67 : vector<512x1xi32> to vector<512x16xi32>
    %select_n3A_69 = arith.select %eq3A_66, %broadcast_in_dim3A_68, %select_n3A_55 : vector<512x16xi1>, vector<512x16xi32>
    %eq3A_70 = vector.broadcast %broadcast_in_dim3A_63 : vector<512x1xi32> to vector<512x4096xi32>
    %eq3A_71 = arith.cmpi eq, %select_n3A_60, %eq3A_70 : vector<512x4096xi32>
    %jit3A_72 = arith.constant 4096 : i32
    %broadcast_in_dim3A_73 = vector.broadcast %jit3A_72 : i32 to vector<512x4096xi32>
    %select_n3A_74 = arith.select %eq3A_71, %broadcast_in_dim3A_73, %select_n3A_60 : vector<512x4096xi1>, vector<512x4096xi32>
    %reduce_min3A_75 = arith.constant dense<2147483647> : vector<512xi32>
    %reduce_min3A_76 = vector.multi_reduction <minsi>, %select_n3A_74, %reduce_min3A_75 [1] : vector<512x4096xi32> to vector<512xi32>
    %broadcast_in_dim3A_77 = vector.shape_cast %reduce_min3A_76 : vector<512xi32> to vector<512x1xi32>
    %eq3A_78 = arith.constant 3 : i32
    %eq3A_79 = vector.broadcast %eq3A_78 : i32 to vector<512x16xi32>
    %eq3A_80 = arith.cmpi eq, %iota3A_32, %eq3A_79 : vector<512x16xi32>
    %broadcast_in_dim3A_81 = vector.shape_cast %broadcast_in_dim3A_77 : vector<512x1xi32> to vector<512x1xi32>
    %broadcast_in_dim3A_82 = vector.broadcast %broadcast_in_dim3A_81 : vector<512x1xi32> to vector<512x16xi32>
    %select_n3A_83 = arith.select %eq3A_80, %broadcast_in_dim3A_82, %select_n3A_69 : vector<512x16xi1>, vector<512x16xi32>
    %eq3A_84 = vector.broadcast %broadcast_in_dim3A_77 : vector<512x1xi32> to vector<512x4096xi32>
    %eq3A_85 = arith.cmpi eq, %select_n3A_74, %eq3A_84 : vector<512x4096xi32>
    %jit3A_86 = arith.constant 4096 : i32
    %broadcast_in_dim3A_87 = vector.broadcast %jit3A_86 : i32 to vector<512x4096xi32>
    %select_n3A_88 = arith.select %eq3A_85, %broadcast_in_dim3A_87, %select_n3A_74 : vector<512x4096xi1>, vector<512x4096xi32>
    %reduce_min3A_89 = arith.constant dense<2147483647> : vector<512xi32>
    %reduce_min3A_90 = vector.multi_reduction <minsi>, %select_n3A_88, %reduce_min3A_89 [1] : vector<512x4096xi32> to vector<512xi32>
    %broadcast_in_dim3A_91 = vector.shape_cast %reduce_min3A_90 : vector<512xi32> to vector<512x1xi32>
    %eq3A_92 = arith.constant 4 : i32
    %eq3A_93 = vector.broadcast %eq3A_92 : i32 to vector<512x16xi32>
    %eq3A_94 = arith.cmpi eq, %iota3A_32, %eq3A_93 : vector<512x16xi32>
    %broadcast_in_dim3A_95 = vector.shape_cast %broadcast_in_dim3A_91 : vector<512x1xi32> to vector<512x1xi32>
    %broadcast_in_dim3A_96 = vector.broadcast %broadcast_in_dim3A_95 : vector<512x1xi32> to vector<512x16xi32>
    %select_n3A_97 = arith.select %eq3A_94, %broadcast_in_dim3A_96, %select_n3A_83 : vector<512x16xi1>, vector<512x16xi32>
    %eq3A_98 = vector.broadcast %broadcast_in_dim3A_91 : vector<512x1xi32> to vector<512x4096xi32>
    %eq3A_99 = arith.cmpi eq, %select_n3A_88, %eq3A_98 : vector<512x4096xi32>
    %jit3A_100 = arith.constant 4096 : i32
    %broadcast_in_dim3A_101 = vector.broadcast %jit3A_100 : i32 to vector<512x4096xi32>
    %select_n3A_102 = arith.select %eq3A_99, %broadcast_in_dim3A_101, %select_n3A_88 : vector<512x4096xi1>, vector<512x4096xi32>
    %reduce_min3A_103 = arith.constant dense<2147483647> : vector<512xi32>
    %reduce_min3A_104 = vector.multi_reduction <minsi>, %select_n3A_102, %reduce_min3A_103 [1] : vector<512x4096xi32> to vector<512xi32>
    %broadcast_in_dim3A_105 = vector.shape_cast %reduce_min3A_104 : vector<512xi32> to vector<512x1xi32>
    %eq3A_106 = arith.constant 5 : i32
    %eq3A_107 = vector.broadcast %eq3A_106 : i32 to vector<512x16xi32>
    %eq3A_108 = arith.cmpi eq, %iota3A_32, %eq3A_107 : vector<512x16xi32>
    %broadcast_in_dim3A_109 = vector.shape_cast %broadcast_in_dim3A_105 : vector<512x1xi32> to vector<512x1xi32>
    %broadcast_in_dim3A_110 = vector.broadcast %broadcast_in_dim3A_109 : vector<512x1xi32> to vector<512x16xi32>
    %select_n3A_111 = arith.select %eq3A_108, %broadcast_in_dim3A_110, %select_n3A_97 : vector<512x16xi1>, vector<512x16xi32>
    %eq3A_112 = vector.broadcast %broadcast_in_dim3A_105 : vector<512x1xi32> to vector<512x4096xi32>
    %eq3A_113 = arith.cmpi eq, %select_n3A_102, %eq3A_112 : vector<512x4096xi32>
    %jit3A_114 = arith.constant 4096 : i32
    %broadcast_in_dim3A_115 = vector.broadcast %jit3A_114 : i32 to vector<512x4096xi32>
    %select_n3A_116 = arith.select %eq3A_113, %broadcast_in_dim3A_115, %select_n3A_102 : vector<512x4096xi1>, vector<512x4096xi32>
    %reduce_min3A_117 = arith.constant dense<2147483647> : vector<512xi32>
    %reduce_min3A_118 = vector.multi_reduction <minsi>, %select_n3A_116, %reduce_min3A_117 [1] : vector<512x4096xi32> to vector<512xi32>
    %broadcast_in_dim3A_119 = vector.shape_cast %reduce_min3A_118 : vector<512xi32> to vector<512x1xi32>
    %eq3A_120 = arith.constant 6 : i32
    %eq3A_121 = vector.broadcast %eq3A_120 : i32 to vector<512x16xi32>
    %eq3A_122 = arith.cmpi eq, %iota3A_32, %eq3A_121 : vector<512x16xi32>
    %broadcast_in_dim3A_123 = vector.shape_cast %broadcast_in_dim3A_119 : vector<512x1xi32> to vector<512x1xi32>
    %broadcast_in_dim3A_124 = vector.broadcast %broadcast_in_dim3A_123 : vector<512x1xi32> to vector<512x16xi32>
    %select_n3A_125 = arith.select %eq3A_122, %broadcast_in_dim3A_124, %select_n3A_111 : vector<512x16xi1>, vector<512x16xi32>
    %eq3A_126 = vector.broadcast %broadcast_in_dim3A_119 : vector<512x1xi32> to vector<512x4096xi32>
    %eq3A_127 = arith.cmpi eq, %select_n3A_116, %eq3A_126 : vector<512x4096xi32>
    %jit3A_128 = arith.constant 4096 : i32
    %broadcast_in_dim3A_129 = vector.broadcast %jit3A_128 : i32 to vector<512x4096xi32>
    %select_n3A_130 = arith.select %eq3A_127, %broadcast_in_dim3A_129, %select_n3A_116 : vector<512x4096xi1>, vector<512x4096xi32>
    %reduce_min3A_131 = arith.constant dense<2147483647> : vector<512xi32>
    %reduce_min3A_132 = vector.multi_reduction <minsi>, %select_n3A_130, %reduce_min3A_131 [1] : vector<512x4096xi32> to vector<512xi32>
    %broadcast_in_dim3A_133 = vector.shape_cast %reduce_min3A_132 : vector<512xi32> to vector<512x1xi32>
    %eq3A_134 = arith.constant 7 : i32
    %eq3A_135 = vector.broadcast %eq3A_134 : i32 to vector<512x16xi32>
    %eq3A_136 = arith.cmpi eq, %iota3A_32, %eq3A_135 : vector<512x16xi32>
    %broadcast_in_dim3A_137 = vector.shape_cast %broadcast_in_dim3A_133 : vector<512x1xi32> to vector<512x1xi32>
    %broadcast_in_dim3A_138 = vector.broadcast %broadcast_in_dim3A_137 : vector<512x1xi32> to vector<512x16xi32>
    %select_n3A_139 = arith.select %eq3A_136, %broadcast_in_dim3A_138, %select_n3A_125 : vector<512x16xi1>, vector<512x16xi32>
    %eq3A_140 = vector.broadcast %broadcast_in_dim3A_133 : vector<512x1xi32> to vector<512x4096xi32>
    %eq3A_141 = arith.cmpi eq, %select_n3A_130, %eq3A_140 : vector<512x4096xi32>
    %jit3A_142 = arith.constant 4096 : i32
    %broadcast_in_dim3A_143 = vector.broadcast %jit3A_142 : i32 to vector<512x4096xi32>
    %select_n3A_144 = arith.select %eq3A_141, %broadcast_in_dim3A_143, %select_n3A_130 : vector<512x4096xi1>, vector<512x4096xi32>
    %reduce_min3A_145 = arith.constant dense<2147483647> : vector<512xi32>
    %reduce_min3A_146 = vector.multi_reduction <minsi>, %select_n3A_144, %reduce_min3A_145 [1] : vector<512x4096xi32> to vector<512xi32>
    %broadcast_in_dim3A_147 = vector.shape_cast %reduce_min3A_146 : vector<512xi32> to vector<512x1xi32>
    %eq3A_148 = arith.constant 8 : i32
    %eq3A_149 = vector.broadcast %eq3A_148 : i32 to vector<512x16xi32>
    %eq3A_150 = arith.cmpi eq, %iota3A_32, %eq3A_149 : vector<512x16xi32>
    %broadcast_in_dim3A_151 = vector.shape_cast %broadcast_in_dim3A_147 : vector<512x1xi32> to vector<512x1xi32>
    %broadcast_in_dim3A_152 = vector.broadcast %broadcast_in_dim3A_151 : vector<512x1xi32> to vector<512x16xi32>
    %select_n3A_153 = arith.select %eq3A_150, %broadcast_in_dim3A_152, %select_n3A_139 : vector<512x16xi1>, vector<512x16xi32>
    %eq3A_154 = vector.broadcast %broadcast_in_dim3A_147 : vector<512x1xi32> to vector<512x4096xi32>
    %eq3A_155 = arith.cmpi eq, %select_n3A_144, %eq3A_154 : vector<512x4096xi32>
    %jit3A_156 = arith.constant 4096 : i32
    %broadcast_in_dim3A_157 = vector.broadcast %jit3A_156 : i32 to vector<512x4096xi32>
    %select_n3A_158 = arith.select %eq3A_155, %broadcast_in_dim3A_157, %select_n3A_144 : vector<512x4096xi1>, vector<512x4096xi32>
    %reduce_min3A_159 = arith.constant dense<2147483647> : vector<512xi32>
    %reduce_min3A_160 = vector.multi_reduction <minsi>, %select_n3A_158, %reduce_min3A_159 [1] : vector<512x4096xi32> to vector<512xi32>
    %broadcast_in_dim3A_161 = vector.shape_cast %reduce_min3A_160 : vector<512xi32> to vector<512x1xi32>
    %eq3A_162 = arith.constant 9 : i32
    %eq3A_163 = vector.broadcast %eq3A_162 : i32 to vector<512x16xi32>
    %eq3A_164 = arith.cmpi eq, %iota3A_32, %eq3A_163 : vector<512x16xi32>
    %broadcast_in_dim3A_165 = vector.shape_cast %broadcast_in_dim3A_161 : vector<512x1xi32> to vector<512x1xi32>
    %broadcast_in_dim3A_166 = vector.broadcast %broadcast_in_dim3A_165 : vector<512x1xi32> to vector<512x16xi32>
    %select_n3A_167 = arith.select %eq3A_164, %broadcast_in_dim3A_166, %select_n3A_153 : vector<512x16xi1>, vector<512x16xi32>
    %eq3A_168 = vector.broadcast %broadcast_in_dim3A_161 : vector<512x1xi32> to vector<512x4096xi32>
    %eq3A_169 = arith.cmpi eq, %select_n3A_158, %eq3A_168 : vector<512x4096xi32>
    %jit3A_170 = arith.constant 4096 : i32
    %broadcast_in_dim3A_171 = vector.broadcast %jit3A_170 : i32 to vector<512x4096xi32>
    %select_n3A_172 = arith.select %eq3A_169, %broadcast_in_dim3A_171, %select_n3A_158 : vector<512x4096xi1>, vector<512x4096xi32>
    %reduce_min3A_173 = arith.constant dense<2147483647> : vector<512xi32>
    %reduce_min3A_174 = vector.multi_reduction <minsi>, %select_n3A_172, %reduce_min3A_173 [1] : vector<512x4096xi32> to vector<512xi32>
    %broadcast_in_dim3A_175 = vector.shape_cast %reduce_min3A_174 : vector<512xi32> to vector<512x1xi32>
    %eq3A_176 = arith.constant 10 : i32
    %eq3A_177 = vector.broadcast %eq3A_176 : i32 to vector<512x16xi32>
    %eq3A_178 = arith.cmpi eq, %iota3A_32, %eq3A_177 : vector<512x16xi32>
    %broadcast_in_dim3A_179 = vector.shape_cast %broadcast_in_dim3A_175 : vector<512x1xi32> to vector<512x1xi32>
    %broadcast_in_dim3A_180 = vector.broadcast %broadcast_in_dim3A_179 : vector<512x1xi32> to vector<512x16xi32>
    %select_n3A_181 = arith.select %eq3A_178, %broadcast_in_dim3A_180, %select_n3A_167 : vector<512x16xi1>, vector<512x16xi32>
    %eq3A_182 = vector.broadcast %broadcast_in_dim3A_175 : vector<512x1xi32> to vector<512x4096xi32>
    %eq3A_183 = arith.cmpi eq, %select_n3A_172, %eq3A_182 : vector<512x4096xi32>
    %jit3A_184 = arith.constant 4096 : i32
    %broadcast_in_dim3A_185 = vector.broadcast %jit3A_184 : i32 to vector<512x4096xi32>
    %select_n3A_186 = arith.select %eq3A_183, %broadcast_in_dim3A_185, %select_n3A_172 : vector<512x4096xi1>, vector<512x4096xi32>
    %reduce_min3A_187 = arith.constant dense<2147483647> : vector<512xi32>
    %reduce_min3A_188 = vector.multi_reduction <minsi>, %select_n3A_186, %reduce_min3A_187 [1] : vector<512x4096xi32> to vector<512xi32>
    %broadcast_in_dim3A_189 = vector.shape_cast %reduce_min3A_188 : vector<512xi32> to vector<512x1xi32>
    %eq3A_190 = arith.constant 11 : i32
    %eq3A_191 = vector.broadcast %eq3A_190 : i32 to vector<512x16xi32>
    %eq3A_192 = arith.cmpi eq, %iota3A_32, %eq3A_191 : vector<512x16xi32>
    %broadcast_in_dim3A_193 = vector.shape_cast %broadcast_in_dim3A_189 : vector<512x1xi32> to vector<512x1xi32>
    %broadcast_in_dim3A_194 = vector.broadcast %broadcast_in_dim3A_193 : vector<512x1xi32> to vector<512x16xi32>
    %select_n3A_195 = arith.select %eq3A_192, %broadcast_in_dim3A_194, %select_n3A_181 : vector<512x16xi1>, vector<512x16xi32>
    %eq3A_196 = vector.broadcast %broadcast_in_dim3A_189 : vector<512x1xi32> to vector<512x4096xi32>
    %eq3A_197 = arith.cmpi eq, %select_n3A_186, %eq3A_196 : vector<512x4096xi32>
    %jit3A_198 = arith.constant 4096 : i32
    %broadcast_in_dim3A_199 = vector.broadcast %jit3A_198 : i32 to vector<512x4096xi32>
    %select_n3A_200 = arith.select %eq3A_197, %broadcast_in_dim3A_199, %select_n3A_186 : vector<512x4096xi1>, vector<512x4096xi32>
    %reduce_min3A_201 = arith.constant dense<2147483647> : vector<512xi32>
    %reduce_min3A_202 = vector.multi_reduction <minsi>, %select_n3A_200, %reduce_min3A_201 [1] : vector<512x4096xi32> to vector<512xi32>
    %broadcast_in_dim3A_203 = vector.shape_cast %reduce_min3A_202 : vector<512xi32> to vector<512x1xi32>
    %eq3A_204 = arith.constant 12 : i32
    %eq3A_205 = vector.broadcast %eq3A_204 : i32 to vector<512x16xi32>
    %eq3A_206 = arith.cmpi eq, %iota3A_32, %eq3A_205 : vector<512x16xi32>
    %broadcast_in_dim3A_207 = vector.shape_cast %broadcast_in_dim3A_203 : vector<512x1xi32> to vector<512x1xi32>
    %broadcast_in_dim3A_208 = vector.broadcast %broadcast_in_dim3A_207 : vector<512x1xi32> to vector<512x16xi32>
    %select_n3A_209 = arith.select %eq3A_206, %broadcast_in_dim3A_208, %select_n3A_195 : vector<512x16xi1>, vector<512x16xi32>
    %eq3A_210 = vector.broadcast %broadcast_in_dim3A_203 : vector<512x1xi32> to vector<512x4096xi32>
    %eq3A_211 = arith.cmpi eq, %select_n3A_200, %eq3A_210 : vector<512x4096xi32>
    %jit3A_212 = arith.constant 4096 : i32
    %broadcast_in_dim3A_213 = vector.broadcast %jit3A_212 : i32 to vector<512x4096xi32>
    %select_n3A_214 = arith.select %eq3A_211, %broadcast_in_dim3A_213, %select_n3A_200 : vector<512x4096xi1>, vector<512x4096xi32>
    %reduce_min3A_215 = arith.constant dense<2147483647> : vector<512xi32>
    %reduce_min3A_216 = vector.multi_reduction <minsi>, %select_n3A_214, %reduce_min3A_215 [1] : vector<512x4096xi32> to vector<512xi32>
    %broadcast_in_dim3A_217 = vector.shape_cast %reduce_min3A_216 : vector<512xi32> to vector<512x1xi32>
    %eq3A_218 = arith.constant 13 : i32
    %eq3A_219 = vector.broadcast %eq3A_218 : i32 to vector<512x16xi32>
    %eq3A_220 = arith.cmpi eq, %iota3A_32, %eq3A_219 : vector<512x16xi32>
    %broadcast_in_dim3A_221 = vector.shape_cast %broadcast_in_dim3A_217 : vector<512x1xi32> to vector<512x1xi32>
    %broadcast_in_dim3A_222 = vector.broadcast %broadcast_in_dim3A_221 : vector<512x1xi32> to vector<512x16xi32>
    %select_n3A_223 = arith.select %eq3A_220, %broadcast_in_dim3A_222, %select_n3A_209 : vector<512x16xi1>, vector<512x16xi32>
    %eq3A_224 = vector.broadcast %broadcast_in_dim3A_217 : vector<512x1xi32> to vector<512x4096xi32>
    %eq3A_225 = arith.cmpi eq, %select_n3A_214, %eq3A_224 : vector<512x4096xi32>
    %jit3A_226 = arith.constant 4096 : i32
    %broadcast_in_dim3A_227 = vector.broadcast %jit3A_226 : i32 to vector<512x4096xi32>
    %select_n3A_228 = arith.select %eq3A_225, %broadcast_in_dim3A_227, %select_n3A_214 : vector<512x4096xi1>, vector<512x4096xi32>
    %reduce_min3A_229 = arith.constant dense<2147483647> : vector<512xi32>
    %reduce_min3A_230 = vector.multi_reduction <minsi>, %select_n3A_228, %reduce_min3A_229 [1] : vector<512x4096xi32> to vector<512xi32>
    %broadcast_in_dim3A_231 = vector.shape_cast %reduce_min3A_230 : vector<512xi32> to vector<512x1xi32>
    %eq3A_232 = arith.constant 14 : i32
    %eq3A_233 = vector.broadcast %eq3A_232 : i32 to vector<512x16xi32>
    %eq3A_234 = arith.cmpi eq, %iota3A_32, %eq3A_233 : vector<512x16xi32>
    %broadcast_in_dim3A_235 = vector.shape_cast %broadcast_in_dim3A_231 : vector<512x1xi32> to vector<512x1xi32>
    %broadcast_in_dim3A_236 = vector.broadcast %broadcast_in_dim3A_235 : vector<512x1xi32> to vector<512x16xi32>
    %select_n3A_237 = arith.select %eq3A_234, %broadcast_in_dim3A_236, %select_n3A_223 : vector<512x16xi1>, vector<512x16xi32>
    %eq3A_238 = vector.broadcast %broadcast_in_dim3A_231 : vector<512x1xi32> to vector<512x4096xi32>
    %eq3A_239 = arith.cmpi eq, %select_n3A_228, %eq3A_238 : vector<512x4096xi32>
    %jit3A_240 = arith.constant 4096 : i32
    %broadcast_in_dim3A_241 = vector.broadcast %jit3A_240 : i32 to vector<512x4096xi32>
    %select_n3A_242 = arith.select %eq3A_239, %broadcast_in_dim3A_241, %select_n3A_228 : vector<512x4096xi1>, vector<512x4096xi32>
    %reduce_min3A_243 = arith.constant dense<2147483647> : vector<512xi32>
    %reduce_min3A_244 = vector.multi_reduction <minsi>, %select_n3A_242, %reduce_min3A_243 [1] : vector<512x4096xi32> to vector<512xi32>
    %broadcast_in_dim3A_245 = vector.shape_cast %reduce_min3A_244 : vector<512xi32> to vector<512x1xi32>
    %eq3A_246 = arith.constant 15 : i32
    %eq3A_247 = vector.broadcast %eq3A_246 : i32 to vector<512x16xi32>
    %eq3A_248 = arith.cmpi eq, %iota3A_32, %eq3A_247 : vector<512x16xi32>
    %broadcast_in_dim3A_249 = vector.shape_cast %broadcast_in_dim3A_245 : vector<512x1xi32> to vector<512x1xi32>
    %broadcast_in_dim3A_250 = vector.broadcast %broadcast_in_dim3A_249 : vector<512x1xi32> to vector<512x16xi32>
    %select_n3A_251 = arith.select %eq3A_248, %broadcast_in_dim3A_250, %select_n3A_237 : vector<512x16xi1>, vector<512x16xi32>
    %slice3A_252 = vector.extract_strided_slice %select_n3A_251 {offsets = [0, 0], sizes = [512, 1], strides = [1, 1]} : vector<512x16xi32> to vector<512x1xi32>
    %eq3A_253 = arith.constant 4096 : i32
    %eq3A_254 = vector.broadcast %eq3A_253 : i32 to vector<512x16xi32>
    %eq3A_255 = arith.cmpi eq, %select_n3A_251, %eq3A_254 : vector<512x16xi32>
    %broadcast_in_dim3A_256 = vector.shape_cast %slice3A_252 : vector<512x1xi32> to vector<512x1xi32>
    %broadcast_in_dim3A_257 = vector.broadcast %broadcast_in_dim3A_256 : vector<512x1xi32> to vector<512x16xi32>
    %select_n3A_258 = arith.select %eq3A_255, %broadcast_in_dim3A_257, %select_n3A_251 : vector<512x16xi1>, vector<512x16xi32>
    %eq3A_259 = arith.constant 4096 : i32
    %eq3A_260 = vector.broadcast %eq3A_259 : i32 to vector<512x16xi32>
    %eq3A_261 = arith.cmpi eq, %select_n3A_258, %eq3A_260 : vector<512x16xi32>
    %jit3A_262 = arith.constant 4095 : i32
    %broadcast_in_dim3A_263 = vector.broadcast %jit3A_262 : i32 to vector<512x16xi32>
    %select_n3A_264 = arith.select %eq3A_261, %broadcast_in_dim3A_263, %select_n3A_258 : vector<512x16xi1>, vector<512x16xi32>
    %mul3A_265 = arith.constant 4096 : i32
    %mul3A_266 = arith.muli %arg0, %mul3A_265 : i32
    %add3A_267 = vector.broadcast %mul3A_266 : i32 to vector<512x16xi32>
    %add3A_268 = arith.addi %select_n3A_264, %add3A_267 : vector<512x16xi32>
    %swap3A = arith.constant 0 : index
    %swap3A_269 = arith.constant 0 : index
    %swap3A_270 = arith.constant 0 : index
    %swap3A_271 = vector.load %arg3[%swap3A, %swap3A_269, %swap3A_270] : memref<1x512x16xi32, #tpu.memory_space<vmem>>, vector<1x512x16xi32>
    %swap3A_272 = vector.shape_cast %swap3A_271 : vector<1x512x16xi32> to vector<512x16xi32>
    %swap3A_273 = vector.shape_cast %add3A_268 : vector<512x16xi32> to vector<1x512x16xi32>
    tpu.vector_store %arg3[%swap3A, %swap3A_269, %swap3A_270], %swap3A_273 {strides = array<i32>} : memref<1x512x16xi32, #tpu.memory_space<vmem>>, vector<1x512x16xi32>,
    return
  }
  func.func @transform_0(%arg0: i32) -> (i32, i32, i32) {
    %c0_i32 = arith.constant 0 : i32
    %c0_i32_0 = arith.constant 0 : i32
    %c0_i32_1 = arith.constant 0 : i32
    return %arg0, %c0_i32, %c0_i32_0 : i32, i32, i32
  }
  func.func @transform_1(%arg0: i32) -> (i32, i32, i32) {
    %c0_i32 = arith.constant 0 : i32
    %c0_i32_0 = arith.constant 0 : i32
    %c0_i32_1 = arith.constant 0 : i32
    return %arg0, %c0_i32, %c0_i32_0 : i32, i32, i32
  }
  func.func @transform_2(%arg0: i32) -> (i32, i32, i32) {
    %c0_i32 = arith.constant 0 : i32
    %c0_i32_0 = arith.constant 0 : i32
    %c0_i32_1 = arith.constant 0 : i32
    return %arg0, %c0_i32, %c0_i32_0 : i32, i32, i32
  }
}

module attributes {stable_mosaic.version = 14 : i64} {
  func.func @_p1_body(%arg0: i32, %arg1: memref<4096x128xf32, #tpu.memory_space<vmem>>, %arg2: memref<256x16xf32, #tpu.memory_space<vmem>>, %arg3: memref<16x16xf32, #tpu.memory_space<vmem>>, %arg4: memref<8x16xf32, #tpu.memory_space<vmem>>, %arg5: memref<4096x16xf32, #tpu.memory_space<vmem>>, %arg6: memref<8x16xf32, #tpu.memory_space<vmem>>, %arg7: memref<8x16xf32, #tpu.memory_space<vmem>>) attributes {dimension_semantics = [#tpu.dimension_semantics<arbitrary>], iteration_bounds = array<i64: 32>, scalar_prefetch = 0 : i64, scratch_operands = 1 : i64, tpu.core_type = #tpu.core_type<tc>, window_params = [{transform_indices = @transform_0, window_bounds = array<i64: 4096, 128>}, {transform_indices = @transform_1, window_bounds = array<i64: 256, 16>}, {pipeline_mode = #tpu.pipeline_mode<synchronous>, transform_indices = @transform_2, window_bounds = array<i64: 16, 16>}, {pipeline_mode = #tpu.pipeline_mode<synchronous>, transform_indices = @transform_3, window_bounds = array<i64: 8, 16>}, {transform_indices = @transform_4, window_bounds = array<i64: 4096, 16>}, {pipeline_mode = #tpu.pipeline_mode<synchronous>, transform_indices = @transform_5, window_bounds = array<i64: 8, 16>}]} {
    %eq3A = arith.constant 0 : i32
    %eq3A_0 = arith.cmpi eq, %arg0, %eq3A : i32
    %convert_element_type3A = arith.extui %eq3A_0 : i1 to i32
    %cond3A = arith.constant 0 : i32
    %cond3A_1 = arith.cmpi ne, %convert_element_type3A, %cond3A : i32
    scf.if %cond3A_1 {
      %broadcast_in_dim3A_43 = arith.constant 0.000000e+00 : f32
      %broadcast_in_dim3A_44 = vector.broadcast %broadcast_in_dim3A_43 : f32 to vector<8x16xf32>
      %swap3A_45 = arith.constant 0 : index
      %swap3A_46 = arith.constant 0 : index
      %swap3A_47 = vector.load %arg7[%swap3A_45, %swap3A_46] : memref<8x16xf32, #tpu.memory_space<vmem>>, vector<8x16xf32>
      tpu.vector_store %arg7[%swap3A_45, %swap3A_46], %broadcast_in_dim3A_44 {strides = array<i32>} : memref<8x16xf32, #tpu.memory_space<vmem>>, vector<8x16xf32>,
    } else {
    }
    %get3A = arith.constant 0 : index
    %get3A_2 = arith.constant 0 : index
    %get3A_3 = vector.load %arg1[%get3A, %get3A_2] : memref<4096x128xf32, #tpu.memory_space<vmem>>, vector<4096x16xf32>
    %reshape3A = vector.shape_cast %get3A_3 : vector<4096x16xf32> to vector<256x16x16xf32>
    %get3A_4 = arith.constant 0 : index
    %get3A_5 = arith.constant 0 : index
    %get3A_6 = vector.load %arg2[%get3A_4, %get3A_5] : memref<256x16xf32, #tpu.memory_space<vmem>>, vector<256x16xf32>
    %reshape3A_7 = vector.shape_cast %get3A_6 : vector<256x16xf32> to vector<256x1x16xf32>
    %sub3A = vector.broadcast %reshape3A_7 : vector<256x1x16xf32> to vector<256x16x16xf32>
    %sub3A_8 = arith.subf %reshape3A, %sub3A : vector<256x16x16xf32>
    %reshape3A_9 = vector.shape_cast %sub3A_8 : vector<256x16x16xf32> to vector<4096x16xf32>
    %get3A_10 = arith.constant 0 : index
    %get3A_11 = arith.constant 0 : index
    %get3A_12 = vector.load %arg3[%get3A_10, %get3A_11] : memref<16x16xf32, #tpu.memory_space<vmem>>, vector<16x16xf32>
    %dot_general3A = arith.constant dense<0.000000e+00> : vector<4096x16xf32>
    %dot_general3A_13 = tpu.matmul %reshape3A_9, %get3A_12, %dot_general3A {dimension_numbers = #tpu.dot_dimension_numbers<[1], [0], [0], [1], [0, 0, 1, 1], [], []>, transpose_lhs_hint = false} : vector<4096x16xf32>, vector<16x16xf32>, vector<4096x16xf32> -> vector<4096x16xf32>
    %get3A_14 = arith.constant 0 : index
    %get3A_15 = arith.constant 0 : index
    %get3A_16 = vector.load %arg4[%get3A_14, %get3A_15] : memref<8x16xf32, #tpu.memory_space<vmem>>, vector<1x16xf32>
    %add3A = vector.broadcast %get3A_16 : vector<1x16xf32> to vector<4096x16xf32>
    %add3A_17 = arith.addf %dot_general3A_13, %add3A : vector<4096x16xf32>
    %swap3A = arith.constant 0 : index
    %swap3A_18 = arith.constant 0 : index
    %swap3A_19 = vector.load %arg5[%swap3A, %swap3A_18] : memref<4096x16xf32, #tpu.memory_space<vmem>>, vector<4096x16xf32>
    tpu.vector_store %arg5[%swap3A, %swap3A_18], %add3A_17 {strides = array<i32>} : memref<4096x16xf32, #tpu.memory_space<vmem>>, vector<4096x16xf32>,
    %get3A_20 = arith.constant 0 : index
    %get3A_21 = arith.constant 0 : index
    %get3A_22 = vector.load %arg7[%get3A_20, %get3A_21] : memref<8x16xf32, #tpu.memory_space<vmem>>, vector<1x16xf32>
    %reduce_sum3A = arith.constant dense<0.000000e+00> : vector<16xf32>
    %reduce_sum3A_23 = vector.multi_reduction <add>, %add3A_17, %reduce_sum3A [0] : vector<4096x16xf32> to vector<16xf32>
    %broadcast_in_dim3A = vector.shape_cast %reduce_sum3A_23 : vector<16xf32> to vector<1x16xf32>
    %add3A_24 = arith.addf %get3A_22, %broadcast_in_dim3A : vector<1x16xf32>
    %swap3A_25 = arith.constant 0 : index
    %swap3A_26 = arith.constant 0 : index
    %swap3A_27 = vector.load %arg7[%swap3A_25, %swap3A_26] : memref<8x16xf32, #tpu.memory_space<vmem>>, vector<1x16xf32>
    tpu.vector_store %arg7[%swap3A_25, %swap3A_26], %add3A_24 {strides = array<i32>} : memref<8x16xf32, #tpu.memory_space<vmem>>, vector<1x16xf32>,
    %get3A_28 = arith.constant 1 : index
    %get3A_29 = arith.constant 0 : index
    %get3A_30 = vector.load %arg7[%get3A_28, %get3A_29] : memref<8x16xf32, #tpu.memory_space<vmem>>, vector<1x16xf32>
    %mul3A = arith.mulf %add3A_17, %add3A_17 : vector<4096x16xf32>
    %reduce_sum3A_31 = arith.constant dense<0.000000e+00> : vector<16xf32>
    %reduce_sum3A_32 = vector.multi_reduction <add>, %mul3A, %reduce_sum3A_31 [0] : vector<4096x16xf32> to vector<16xf32>
    %broadcast_in_dim3A_33 = vector.shape_cast %reduce_sum3A_32 : vector<16xf32> to vector<1x16xf32>
    %add3A_34 = arith.addf %get3A_30, %broadcast_in_dim3A_33 : vector<1x16xf32>
    %swap3A_35 = arith.constant 1 : index
    %swap3A_36 = arith.constant 0 : index
    %swap3A_37 = vector.load %arg7[%swap3A_35, %swap3A_36] : memref<8x16xf32, #tpu.memory_space<vmem>>, vector<1x16xf32>
    tpu.vector_store %arg7[%swap3A_35, %swap3A_36], %add3A_34 {strides = array<i32>} : memref<8x16xf32, #tpu.memory_space<vmem>>, vector<1x16xf32>,
    %eq3A_38 = arith.constant 31 : i32
    %eq3A_39 = arith.cmpi eq, %arg0, %eq3A_38 : i32
    %convert_element_type3A_40 = arith.extui %eq3A_39 : i1 to i32
    %cond3A_41 = arith.constant 0 : i32
    %cond3A_42 = arith.cmpi ne, %convert_element_type3A_40, %cond3A_41 : i32
    scf.if %cond3A_42 {
      %get3A_43 = arith.constant 0 : index
      %get3A_44 = arith.constant 0 : index
      %get3A_45 = vector.load %arg7[%get3A_43, %get3A_44] : memref<8x16xf32, #tpu.memory_space<vmem>>, vector<8x16xf32>
      %swap3A_46 = arith.constant 0 : index
      %swap3A_47 = arith.constant 0 : index
      %swap3A_48 = vector.load %arg6[%swap3A_46, %swap3A_47] : memref<8x16xf32, #tpu.memory_space<vmem>>, vector<8x16xf32>
      tpu.vector_store %arg6[%swap3A_46, %swap3A_47], %get3A_45 {strides = array<i32>} : memref<8x16xf32, #tpu.memory_space<vmem>>, vector<8x16xf32>,
    } else {
    }
    return
  }
  func.func @transform_0(%arg0: i32) -> (i32, i32) {
    %c0_i32 = arith.constant 0 : i32
    %c0_i32_0 = arith.constant 0 : i32
    return %arg0, %c0_i32 : i32, i32
  }
  func.func @transform_1(%arg0: i32) -> (i32, i32) {
    %c0_i32 = arith.constant 0 : i32
    %c0_i32_0 = arith.constant 0 : i32
    return %arg0, %c0_i32 : i32, i32
  }
  func.func @transform_2(%arg0: i32) -> (i32, i32) {
    %c0_i32 = arith.constant 0 : i32
    %c0_i32_0 = arith.constant 0 : i32
    %c0_i32_1 = arith.constant 0 : i32
    return %c0_i32, %c0_i32_0 : i32, i32
  }
  func.func @transform_3(%arg0: i32) -> (i32, i32) {
    %c0_i32 = arith.constant 0 : i32
    %c0_i32_0 = arith.constant 0 : i32
    %c0_i32_1 = arith.constant 0 : i32
    return %c0_i32, %c0_i32_0 : i32, i32
  }
  func.func @transform_4(%arg0: i32) -> (i32, i32) {
    %c0_i32 = arith.constant 0 : i32
    %c0_i32_0 = arith.constant 0 : i32
    return %arg0, %c0_i32 : i32, i32
  }
  func.func @transform_5(%arg0: i32) -> (i32, i32) {
    %c0_i32 = arith.constant 0 : i32
    %c0_i32_0 = arith.constant 0 : i32
    %c0_i32_1 = arith.constant 0 : i32
    return %c0_i32, %c0_i32_0 : i32, i32
  }
}

module attributes {stable_mosaic.version = 14 : i64} {
  func.func @_p2_body(%arg0: i32, %arg1: memref<4096x16xf32, #tpu.memory_space<vmem>>, %arg2: memref<8x16xf32, #tpu.memory_space<vmem>>, %arg3: memref<8x16xf32, #tpu.memory_space<vmem>>, %arg4: memref<16x16xf32, #tpu.memory_space<vmem>>, %arg5: memref<8x16xf32, #tpu.memory_space<vmem>>, %arg6: memref<4096x16xf32, #tpu.memory_space<vmem>>, %arg7: memref<8x16xf32, #tpu.memory_space<vmem>>, %arg8: memref<8x16xf32, #tpu.memory_space<vmem>>) attributes {dimension_semantics = [#tpu.dimension_semantics<arbitrary>], iteration_bounds = array<i64: 32>, scalar_prefetch = 0 : i64, scratch_operands = 1 : i64, tpu.core_type = #tpu.core_type<tc>, window_params = [{transform_indices = @transform_0, window_bounds = array<i64: 4096, 16>}, {pipeline_mode = #tpu.pipeline_mode<synchronous>, transform_indices = @transform_1, window_bounds = array<i64: 8, 16>}, {pipeline_mode = #tpu.pipeline_mode<synchronous>, transform_indices = @transform_2, window_bounds = array<i64: 8, 16>}, {pipeline_mode = #tpu.pipeline_mode<synchronous>, transform_indices = @transform_3, window_bounds = array<i64: 16, 16>}, {pipeline_mode = #tpu.pipeline_mode<synchronous>, transform_indices = @transform_4, window_bounds = array<i64: 8, 16>}, {transform_indices = @transform_5, window_bounds = array<i64: 4096, 16>}, {pipeline_mode = #tpu.pipeline_mode<synchronous>, transform_indices = @transform_6, window_bounds = array<i64: 8, 16>}]} {
    %eq3A = arith.constant 0 : i32
    %eq3A_0 = arith.cmpi eq, %arg0, %eq3A : i32
    %convert_element_type3A = arith.extui %eq3A_0 : i1 to i32
    %cond3A = arith.constant 0 : i32
    %cond3A_1 = arith.cmpi ne, %convert_element_type3A, %cond3A : i32
    scf.if %cond3A_1 {
      %broadcast_in_dim3A_65 = arith.constant 0.000000e+00 : f32
      %broadcast_in_dim3A_66 = vector.broadcast %broadcast_in_dim3A_65 : f32 to vector<8x16xf32>
      %swap3A_67 = arith.constant 0 : index
      %swap3A_68 = arith.constant 0 : index
      %swap3A_69 = vector.load %arg8[%swap3A_67, %swap3A_68] : memref<8x16xf32, #tpu.memory_space<vmem>>, vector<8x16xf32>
      tpu.vector_store %arg8[%swap3A_67, %swap3A_68], %broadcast_in_dim3A_66 {strides = array<i32>} : memref<8x16xf32, #tpu.memory_space<vmem>>, vector<8x16xf32>,
    } else {
    }
    %get3A = arith.constant 0 : index
    %get3A_2 = arith.constant 0 : index
    %get3A_3 = vector.load %arg1[%get3A, %get3A_2] : memref<4096x16xf32, #tpu.memory_space<vmem>>, vector<4096x16xf32>
    %get3A_4 = arith.constant 0 : index
    %get3A_5 = arith.constant 0 : index
    %get3A_6 = vector.load %arg2[%get3A_4, %get3A_5] : memref<8x16xf32, #tpu.memory_space<vmem>>, vector<8x16xf32>
    %get3A_7 = arith.constant 0 : index
    %get3A_8 = arith.constant 0 : index
    %get3A_9 = vector.load %arg3[%get3A_7, %get3A_8] : memref<8x16xf32, #tpu.memory_space<vmem>>, vector<8x16xf32>
    %slice3A = vector.extract_strided_slice %get3A_6 {offsets = [0, 0], sizes = [1, 16], strides = [1, 1]} : vector<8x16xf32> to vector<1x16xf32>
    %div3A = arith.constant 1.310720e+05 : f32
    %div3A_10 = vector.broadcast %div3A : f32 to vector<1x16xf32>
    %div3A_11 = arith.divf %slice3A, %div3A_10 : vector<1x16xf32>
    %slice3A_12 = vector.extract_strided_slice %get3A_6 {offsets = [1, 0], sizes = [1, 16], strides = [1, 1]} : vector<8x16xf32> to vector<1x16xf32>
    %div3A_13 = arith.constant 1.310720e+05 : f32
    %div3A_14 = vector.broadcast %div3A_13 : f32 to vector<1x16xf32>
    %div3A_15 = arith.divf %slice3A_12, %div3A_14 : vector<1x16xf32>
    %mul3A = arith.mulf %div3A_11, %div3A_11 : vector<1x16xf32>
    %sub3A = arith.subf %div3A_15, %mul3A : vector<1x16xf32>
    %slice3A_16 = vector.extract_strided_slice %get3A_9 {offsets = [1, 0], sizes = [1, 16], strides = [1, 1]} : vector<8x16xf32> to vector<1x16xf32>
    %sub3A_17 = vector.broadcast %div3A_11 : vector<1x16xf32> to vector<4096x16xf32>
    %sub3A_18 = arith.subf %get3A_3, %sub3A_17 : vector<4096x16xf32>
    %mul3A_19 = vector.broadcast %slice3A_16 : vector<1x16xf32> to vector<4096x16xf32>
    %mul3A_20 = arith.mulf %mul3A_19, %sub3A_18 : vector<4096x16xf32>
    %add3A = arith.constant 9.99999974E-6 : f32
    %add3A_21 = vector.broadcast %add3A : f32 to vector<1x16xf32>
    %add3A_22 = arith.addf %sub3A, %add3A_21 : vector<1x16xf32>
    %sqrt3A = math.sqrt %add3A_22 : vector<1x16xf32>
    %div3A_23 = vector.broadcast %sqrt3A : vector<1x16xf32> to vector<4096x16xf32>
    %div3A_24 = arith.divf %mul3A_20, %div3A_23 : vector<4096x16xf32>
    %slice3A_25 = vector.extract_strided_slice %get3A_9 {offsets = [2, 0], sizes = [1, 16], strides = [1, 1]} : vector<8x16xf32> to vector<1x16xf32>
    %add3A_26 = vector.broadcast %slice3A_25 : vector<1x16xf32> to vector<4096x16xf32>
    %add3A_27 = arith.addf %div3A_24, %add3A_26 : vector<4096x16xf32>
    %max3A = arith.constant 0.000000e+00 : f32
    %max3A_28 = vector.broadcast %max3A : f32 to vector<4096x16xf32>
    %max3A_29 = arith.maximumf %add3A_27, %max3A_28 : vector<4096x16xf32>
    %get3A_30 = arith.constant 0 : index
    %get3A_31 = arith.constant 0 : index
    %get3A_32 = vector.load %arg4[%get3A_30, %get3A_31] : memref<16x16xf32, #tpu.memory_space<vmem>>, vector<16x16xf32>
    %dot_general3A = arith.constant dense<0.000000e+00> : vector<4096x16xf32>
    %dot_general3A_33 = tpu.matmul %max3A_29, %get3A_32, %dot_general3A {dimension_numbers = #tpu.dot_dimension_numbers<[1], [0], [0], [1], [0, 0, 1, 1], [], []>, transpose_lhs_hint = false} : vector<4096x16xf32>, vector<16x16xf32>, vector<4096x16xf32> -> vector<4096x16xf32>
    %get3A_34 = arith.constant 0 : index
    %get3A_35 = arith.constant 0 : index
    %get3A_36 = vector.load %arg5[%get3A_34, %get3A_35] : memref<8x16xf32, #tpu.memory_space<vmem>>, vector<1x16xf32>
    %add3A_37 = vector.broadcast %get3A_36 : vector<1x16xf32> to vector<4096x16xf32>
    %add3A_38 = arith.addf %dot_general3A_33, %add3A_37 : vector<4096x16xf32>
    %swap3A = arith.constant 0 : index
    %swap3A_39 = arith.constant 0 : index
    %swap3A_40 = vector.load %arg6[%swap3A, %swap3A_39] : memref<4096x16xf32, #tpu.memory_space<vmem>>, vector<4096x16xf32>
    tpu.vector_store %arg6[%swap3A, %swap3A_39], %add3A_38 {strides = array<i32>} : memref<4096x16xf32, #tpu.memory_space<vmem>>, vector<4096x16xf32>,
    %get3A_41 = arith.constant 0 : index
    %get3A_42 = arith.constant 0 : index
    %get3A_43 = vector.load %arg8[%get3A_41, %get3A_42] : memref<8x16xf32, #tpu.memory_space<vmem>>, vector<1x16xf32>
    %reduce_sum3A = arith.constant dense<0.000000e+00> : vector<16xf32>
    %reduce_sum3A_44 = vector.multi_reduction <add>, %add3A_38, %reduce_sum3A [0] : vector<4096x16xf32> to vector<16xf32>
    %broadcast_in_dim3A = vector.shape_cast %reduce_sum3A_44 : vector<16xf32> to vector<1x16xf32>
    %add3A_45 = arith.addf %get3A_43, %broadcast_in_dim3A : vector<1x16xf32>
    %swap3A_46 = arith.constant 0 : index
    %swap3A_47 = arith.constant 0 : index
    %swap3A_48 = vector.load %arg8[%swap3A_46, %swap3A_47] : memref<8x16xf32, #tpu.memory_space<vmem>>, vector<1x16xf32>
    tpu.vector_store %arg8[%swap3A_46, %swap3A_47], %add3A_45 {strides = array<i32>} : memref<8x16xf32, #tpu.memory_space<vmem>>, vector<1x16xf32>,
    %get3A_49 = arith.constant 1 : index
    %get3A_50 = arith.constant 0 : index
    %get3A_51 = vector.load %arg8[%get3A_49, %get3A_50] : memref<8x16xf32, #tpu.memory_space<vmem>>, vector<1x16xf32>
    %mul3A_52 = arith.mulf %add3A_38, %add3A_38 : vector<4096x16xf32>
    %reduce_sum3A_53 = arith.constant dense<0.000000e+00> : vector<16xf32>
    %reduce_sum3A_54 = vector.multi_reduction <add>, %mul3A_52, %reduce_sum3A_53 [0] : vector<4096x16xf32> to vector<16xf32>
    %broadcast_in_dim3A_55 = vector.shape_cast %reduce_sum3A_54 : vector<16xf32> to vector<1x16xf32>
    %add3A_56 = arith.addf %get3A_51, %broadcast_in_dim3A_55 : vector<1x16xf32>
    %swap3A_57 = arith.constant 1 : index
    %swap3A_58 = arith.constant 0 : index
    %swap3A_59 = vector.load %arg8[%swap3A_57, %swap3A_58] : memref<8x16xf32, #tpu.memory_space<vmem>>, vector<1x16xf32>
    tpu.vector_store %arg8[%swap3A_57, %swap3A_58], %add3A_56 {strides = array<i32>} : memref<8x16xf32, #tpu.memory_space<vmem>>, vector<1x16xf32>,
    %eq3A_60 = arith.constant 31 : i32
    %eq3A_61 = arith.cmpi eq, %arg0, %eq3A_60 : i32
    %convert_element_type3A_62 = arith.extui %eq3A_61 : i1 to i32
    %cond3A_63 = arith.constant 0 : i32
    %cond3A_64 = arith.cmpi ne, %convert_element_type3A_62, %cond3A_63 : i32
    scf.if %cond3A_64 {
      %get3A_65 = arith.constant 0 : index
      %get3A_66 = arith.constant 0 : index
      %get3A_67 = vector.load %arg8[%get3A_65, %get3A_66] : memref<8x16xf32, #tpu.memory_space<vmem>>, vector<8x16xf32>
      %swap3A_68 = arith.constant 0 : index
      %swap3A_69 = arith.constant 0 : index
      %swap3A_70 = vector.load %arg7[%swap3A_68, %swap3A_69] : memref<8x16xf32, #tpu.memory_space<vmem>>, vector<8x16xf32>
      tpu.vector_store %arg7[%swap3A_68, %swap3A_69], %get3A_67 {strides = array<i32>} : memref<8x16xf32, #tpu.memory_space<vmem>>, vector<8x16xf32>,
    } else {
    }
    return
  }
  func.func @transform_0(%arg0: i32) -> (i32, i32) {
    %c0_i32 = arith.constant 0 : i32
    %c0_i32_0 = arith.constant 0 : i32
    return %arg0, %c0_i32 : i32, i32
  }
  func.func @transform_1(%arg0: i32) -> (i32, i32) {
    %c0_i32 = arith.constant 0 : i32
    %c0_i32_0 = arith.constant 0 : i32
    %c0_i32_1 = arith.constant 0 : i32
    return %c0_i32, %c0_i32_0 : i32, i32
  }
  func.func @transform_2(%arg0: i32) -> (i32, i32) {
    %c0_i32 = arith.constant 0 : i32
    %c0_i32_0 = arith.constant 0 : i32
    %c0_i32_1 = arith.constant 0 : i32
    return %c0_i32, %c0_i32_0 : i32, i32
  }
  func.func @transform_3(%arg0: i32) -> (i32, i32) {
    %c0_i32 = arith.constant 0 : i32
    %c0_i32_0 = arith.constant 0 : i32
    %c0_i32_1 = arith.constant 0 : i32
    return %c0_i32, %c0_i32_0 : i32, i32
  }
  func.func @transform_4(%arg0: i32) -> (i32, i32) {
    %c0_i32 = arith.constant 0 : i32
    %c0_i32_0 = arith.constant 0 : i32
    %c0_i32_1 = arith.constant 0 : i32
    return %c0_i32, %c0_i32_0 : i32, i32
  }
  func.func @transform_5(%arg0: i32) -> (i32, i32) {
    %c0_i32 = arith.constant 0 : i32
    %c0_i32_0 = arith.constant 0 : i32
    return %arg0, %c0_i32 : i32, i32
  }
  func.func @transform_6(%arg0: i32) -> (i32, i32) {
    %c0_i32 = arith.constant 0 : i32
    %c0_i32_0 = arith.constant 0 : i32
    %c0_i32_1 = arith.constant 0 : i32
    return %c0_i32, %c0_i32_0 : i32, i32
  }
}

module attributes {stable_mosaic.version = 14 : i64} {
  func.func @_p2_body(%arg0: i32, %arg1: memref<4096x16xf32, #tpu.memory_space<vmem>>, %arg2: memref<8x16xf32, #tpu.memory_space<vmem>>, %arg3: memref<8x16xf32, #tpu.memory_space<vmem>>, %arg4: memref<16x32xf32, #tpu.memory_space<vmem>>, %arg5: memref<8x32xf32, #tpu.memory_space<vmem>>, %arg6: memref<4096x32xf32, #tpu.memory_space<vmem>>, %arg7: memref<8x32xf32, #tpu.memory_space<vmem>>, %arg8: memref<8x32xf32, #tpu.memory_space<vmem>>) attributes {dimension_semantics = [#tpu.dimension_semantics<arbitrary>], iteration_bounds = array<i64: 32>, scalar_prefetch = 0 : i64, scratch_operands = 1 : i64, tpu.core_type = #tpu.core_type<tc>, window_params = [{transform_indices = @transform_0, window_bounds = array<i64: 4096, 16>}, {pipeline_mode = #tpu.pipeline_mode<synchronous>, transform_indices = @transform_1, window_bounds = array<i64: 8, 16>}, {pipeline_mode = #tpu.pipeline_mode<synchronous>, transform_indices = @transform_2, window_bounds = array<i64: 8, 16>}, {pipeline_mode = #tpu.pipeline_mode<synchronous>, transform_indices = @transform_3, window_bounds = array<i64: 16, 32>}, {pipeline_mode = #tpu.pipeline_mode<synchronous>, transform_indices = @transform_4, window_bounds = array<i64: 8, 32>}, {transform_indices = @transform_5, window_bounds = array<i64: 4096, 32>}, {pipeline_mode = #tpu.pipeline_mode<synchronous>, transform_indices = @transform_6, window_bounds = array<i64: 8, 32>}]} {
    %eq3A = arith.constant 0 : i32
    %eq3A_0 = arith.cmpi eq, %arg0, %eq3A : i32
    %convert_element_type3A = arith.extui %eq3A_0 : i1 to i32
    %cond3A = arith.constant 0 : i32
    %cond3A_1 = arith.cmpi ne, %convert_element_type3A, %cond3A : i32
    scf.if %cond3A_1 {
      %broadcast_in_dim3A_65 = arith.constant 0.000000e+00 : f32
      %broadcast_in_dim3A_66 = vector.broadcast %broadcast_in_dim3A_65 : f32 to vector<8x32xf32>
      %swap3A_67 = arith.constant 0 : index
      %swap3A_68 = arith.constant 0 : index
      %swap3A_69 = vector.load %arg8[%swap3A_67, %swap3A_68] : memref<8x32xf32, #tpu.memory_space<vmem>>, vector<8x32xf32>
      tpu.vector_store %arg8[%swap3A_67, %swap3A_68], %broadcast_in_dim3A_66 {strides = array<i32>} : memref<8x32xf32, #tpu.memory_space<vmem>>, vector<8x32xf32>,
    } else {
    }
    %get3A = arith.constant 0 : index
    %get3A_2 = arith.constant 0 : index
    %get3A_3 = vector.load %arg1[%get3A, %get3A_2] : memref<4096x16xf32, #tpu.memory_space<vmem>>, vector<4096x16xf32>
    %get3A_4 = arith.constant 0 : index
    %get3A_5 = arith.constant 0 : index
    %get3A_6 = vector.load %arg2[%get3A_4, %get3A_5] : memref<8x16xf32, #tpu.memory_space<vmem>>, vector<8x16xf32>
    %get3A_7 = arith.constant 0 : index
    %get3A_8 = arith.constant 0 : index
    %get3A_9 = vector.load %arg3[%get3A_7, %get3A_8] : memref<8x16xf32, #tpu.memory_space<vmem>>, vector<8x16xf32>
    %slice3A = vector.extract_strided_slice %get3A_6 {offsets = [0, 0], sizes = [1, 16], strides = [1, 1]} : vector<8x16xf32> to vector<1x16xf32>
    %div3A = arith.constant 1.310720e+05 : f32
    %div3A_10 = vector.broadcast %div3A : f32 to vector<1x16xf32>
    %div3A_11 = arith.divf %slice3A, %div3A_10 : vector<1x16xf32>
    %slice3A_12 = vector.extract_strided_slice %get3A_6 {offsets = [1, 0], sizes = [1, 16], strides = [1, 1]} : vector<8x16xf32> to vector<1x16xf32>
    %div3A_13 = arith.constant 1.310720e+05 : f32
    %div3A_14 = vector.broadcast %div3A_13 : f32 to vector<1x16xf32>
    %div3A_15 = arith.divf %slice3A_12, %div3A_14 : vector<1x16xf32>
    %mul3A = arith.mulf %div3A_11, %div3A_11 : vector<1x16xf32>
    %sub3A = arith.subf %div3A_15, %mul3A : vector<1x16xf32>
    %slice3A_16 = vector.extract_strided_slice %get3A_9 {offsets = [1, 0], sizes = [1, 16], strides = [1, 1]} : vector<8x16xf32> to vector<1x16xf32>
    %sub3A_17 = vector.broadcast %div3A_11 : vector<1x16xf32> to vector<4096x16xf32>
    %sub3A_18 = arith.subf %get3A_3, %sub3A_17 : vector<4096x16xf32>
    %mul3A_19 = vector.broadcast %slice3A_16 : vector<1x16xf32> to vector<4096x16xf32>
    %mul3A_20 = arith.mulf %mul3A_19, %sub3A_18 : vector<4096x16xf32>
    %add3A = arith.constant 9.99999974E-6 : f32
    %add3A_21 = vector.broadcast %add3A : f32 to vector<1x16xf32>
    %add3A_22 = arith.addf %sub3A, %add3A_21 : vector<1x16xf32>
    %sqrt3A = math.sqrt %add3A_22 : vector<1x16xf32>
    %div3A_23 = vector.broadcast %sqrt3A : vector<1x16xf32> to vector<4096x16xf32>
    %div3A_24 = arith.divf %mul3A_20, %div3A_23 : vector<4096x16xf32>
    %slice3A_25 = vector.extract_strided_slice %get3A_9 {offsets = [2, 0], sizes = [1, 16], strides = [1, 1]} : vector<8x16xf32> to vector<1x16xf32>
    %add3A_26 = vector.broadcast %slice3A_25 : vector<1x16xf32> to vector<4096x16xf32>
    %add3A_27 = arith.addf %div3A_24, %add3A_26 : vector<4096x16xf32>
    %max3A = arith.constant 0.000000e+00 : f32
    %max3A_28 = vector.broadcast %max3A : f32 to vector<4096x16xf32>
    %max3A_29 = arith.maximumf %add3A_27, %max3A_28 : vector<4096x16xf32>
    %get3A_30 = arith.constant 0 : index
    %get3A_31 = arith.constant 0 : index
    %get3A_32 = vector.load %arg4[%get3A_30, %get3A_31] : memref<16x32xf32, #tpu.memory_space<vmem>>, vector<16x32xf32>
    %dot_general3A = arith.constant dense<0.000000e+00> : vector<4096x32xf32>
    %dot_general3A_33 = tpu.matmul %max3A_29, %get3A_32, %dot_general3A {dimension_numbers = #tpu.dot_dimension_numbers<[1], [0], [0], [1], [0, 0, 1, 1], [], []>, transpose_lhs_hint = false} : vector<4096x16xf32>, vector<16x32xf32>, vector<4096x32xf32> -> vector<4096x32xf32>
    %get3A_34 = arith.constant 0 : index
    %get3A_35 = arith.constant 0 : index
    %get3A_36 = vector.load %arg5[%get3A_34, %get3A_35] : memref<8x32xf32, #tpu.memory_space<vmem>>, vector<1x32xf32>
    %add3A_37 = vector.broadcast %get3A_36 : vector<1x32xf32> to vector<4096x32xf32>
    %add3A_38 = arith.addf %dot_general3A_33, %add3A_37 : vector<4096x32xf32>
    %swap3A = arith.constant 0 : index
    %swap3A_39 = arith.constant 0 : index
    %swap3A_40 = vector.load %arg6[%swap3A, %swap3A_39] : memref<4096x32xf32, #tpu.memory_space<vmem>>, vector<4096x32xf32>
    tpu.vector_store %arg6[%swap3A, %swap3A_39], %add3A_38 {strides = array<i32>} : memref<4096x32xf32, #tpu.memory_space<vmem>>, vector<4096x32xf32>,
    %get3A_41 = arith.constant 0 : index
    %get3A_42 = arith.constant 0 : index
    %get3A_43 = vector.load %arg8[%get3A_41, %get3A_42] : memref<8x32xf32, #tpu.memory_space<vmem>>, vector<1x32xf32>
    %reduce_sum3A = arith.constant dense<0.000000e+00> : vector<32xf32>
    %reduce_sum3A_44 = vector.multi_reduction <add>, %add3A_38, %reduce_sum3A [0] : vector<4096x32xf32> to vector<32xf32>
    %broadcast_in_dim3A = vector.shape_cast %reduce_sum3A_44 : vector<32xf32> to vector<1x32xf32>
    %add3A_45 = arith.addf %get3A_43, %broadcast_in_dim3A : vector<1x32xf32>
    %swap3A_46 = arith.constant 0 : index
    %swap3A_47 = arith.constant 0 : index
    %swap3A_48 = vector.load %arg8[%swap3A_46, %swap3A_47] : memref<8x32xf32, #tpu.memory_space<vmem>>, vector<1x32xf32>
    tpu.vector_store %arg8[%swap3A_46, %swap3A_47], %add3A_45 {strides = array<i32>} : memref<8x32xf32, #tpu.memory_space<vmem>>, vector<1x32xf32>,
    %get3A_49 = arith.constant 1 : index
    %get3A_50 = arith.constant 0 : index
    %get3A_51 = vector.load %arg8[%get3A_49, %get3A_50] : memref<8x32xf32, #tpu.memory_space<vmem>>, vector<1x32xf32>
    %mul3A_52 = arith.mulf %add3A_38, %add3A_38 : vector<4096x32xf32>
    %reduce_sum3A_53 = arith.constant dense<0.000000e+00> : vector<32xf32>
    %reduce_sum3A_54 = vector.multi_reduction <add>, %mul3A_52, %reduce_sum3A_53 [0] : vector<4096x32xf32> to vector<32xf32>
    %broadcast_in_dim3A_55 = vector.shape_cast %reduce_sum3A_54 : vector<32xf32> to vector<1x32xf32>
    %add3A_56 = arith.addf %get3A_51, %broadcast_in_dim3A_55 : vector<1x32xf32>
    %swap3A_57 = arith.constant 1 : index
    %swap3A_58 = arith.constant 0 : index
    %swap3A_59 = vector.load %arg8[%swap3A_57, %swap3A_58] : memref<8x32xf32, #tpu.memory_space<vmem>>, vector<1x32xf32>
    tpu.vector_store %arg8[%swap3A_57, %swap3A_58], %add3A_56 {strides = array<i32>} : memref<8x32xf32, #tpu.memory_space<vmem>>, vector<1x32xf32>,
    %eq3A_60 = arith.constant 31 : i32
    %eq3A_61 = arith.cmpi eq, %arg0, %eq3A_60 : i32
    %convert_element_type3A_62 = arith.extui %eq3A_61 : i1 to i32
    %cond3A_63 = arith.constant 0 : i32
    %cond3A_64 = arith.cmpi ne, %convert_element_type3A_62, %cond3A_63 : i32
    scf.if %cond3A_64 {
      %get3A_65 = arith.constant 0 : index
      %get3A_66 = arith.constant 0 : index
      %get3A_67 = vector.load %arg8[%get3A_65, %get3A_66] : memref<8x32xf32, #tpu.memory_space<vmem>>, vector<8x32xf32>
      %swap3A_68 = arith.constant 0 : index
      %swap3A_69 = arith.constant 0 : index
      %swap3A_70 = vector.load %arg7[%swap3A_68, %swap3A_69] : memref<8x32xf32, #tpu.memory_space<vmem>>, vector<8x32xf32>
      tpu.vector_store %arg7[%swap3A_68, %swap3A_69], %get3A_67 {strides = array<i32>} : memref<8x32xf32, #tpu.memory_space<vmem>>, vector<8x32xf32>,
    } else {
    }
    return
  }
  func.func @transform_0(%arg0: i32) -> (i32, i32) {
    %c0_i32 = arith.constant 0 : i32
    %c0_i32_0 = arith.constant 0 : i32
    return %arg0, %c0_i32 : i32, i32
  }
  func.func @transform_1(%arg0: i32) -> (i32, i32) {
    %c0_i32 = arith.constant 0 : i32
    %c0_i32_0 = arith.constant 0 : i32
    %c0_i32_1 = arith.constant 0 : i32
    return %c0_i32, %c0_i32_0 : i32, i32
  }
  func.func @transform_2(%arg0: i32) -> (i32, i32) {
    %c0_i32 = arith.constant 0 : i32
    %c0_i32_0 = arith.constant 0 : i32
    %c0_i32_1 = arith.constant 0 : i32
    return %c0_i32, %c0_i32_0 : i32, i32
  }
  func.func @transform_3(%arg0: i32) -> (i32, i32) {
    %c0_i32 = arith.constant 0 : i32
    %c0_i32_0 = arith.constant 0 : i32
    %c0_i32_1 = arith.constant 0 : i32
    return %c0_i32, %c0_i32_0 : i32, i32
  }
  func.func @transform_4(%arg0: i32) -> (i32, i32) {
    %c0_i32 = arith.constant 0 : i32
    %c0_i32_0 = arith.constant 0 : i32
    %c0_i32_1 = arith.constant 0 : i32
    return %c0_i32, %c0_i32_0 : i32, i32
  }
  func.func @transform_5(%arg0: i32) -> (i32, i32) {
    %c0_i32 = arith.constant 0 : i32
    %c0_i32_0 = arith.constant 0 : i32
    return %arg0, %c0_i32 : i32, i32
  }
  func.func @transform_6(%arg0: i32) -> (i32, i32) {
    %c0_i32 = arith.constant 0 : i32
    %c0_i32_0 = arith.constant 0 : i32
    %c0_i32_1 = arith.constant 0 : i32
    return %c0_i32, %c0_i32_0 : i32, i32
  }
}

module attributes {stable_mosaic.version = 14 : i64} {
  func.func @_p4_body(%arg0: i32, %arg1: memref<4096x32xf32, #tpu.memory_space<vmem>>, %arg2: memref<8x32xf32, #tpu.memory_space<vmem>>, %arg3: memref<8x32xf32, #tpu.memory_space<vmem>>, %arg4: memref<256x32xf32, #tpu.memory_space<vmem>>) attributes {dimension_semantics = [#tpu.dimension_semantics<arbitrary>], iteration_bounds = array<i64: 32>, scalar_prefetch = 0 : i64, scratch_operands = 0 : i64, tpu.core_type = #tpu.core_type<tc>, window_params = [{transform_indices = @transform_0, window_bounds = array<i64: 4096, 32>}, {pipeline_mode = #tpu.pipeline_mode<synchronous>, transform_indices = @transform_1, window_bounds = array<i64: 8, 32>}, {pipeline_mode = #tpu.pipeline_mode<synchronous>, transform_indices = @transform_2, window_bounds = array<i64: 8, 32>}, {transform_indices = @transform_3, window_bounds = array<i64: 256, 32>}]} {
    %get3A = arith.constant 0 : index
    %get3A_0 = arith.constant 0 : index
    %get3A_1 = vector.load %arg1[%get3A, %get3A_0] : memref<4096x32xf32, #tpu.memory_space<vmem>>, vector<4096x32xf32>
    %get3A_2 = arith.constant 0 : index
    %get3A_3 = arith.constant 0 : index
    %get3A_4 = vector.load %arg2[%get3A_2, %get3A_3] : memref<8x32xf32, #tpu.memory_space<vmem>>, vector<8x32xf32>
    %get3A_5 = arith.constant 0 : index
    %get3A_6 = arith.constant 0 : index
    %get3A_7 = vector.load %arg3[%get3A_5, %get3A_6] : memref<8x32xf32, #tpu.memory_space<vmem>>, vector<8x32xf32>
    %slice3A = vector.extract_strided_slice %get3A_4 {offsets = [0, 0], sizes = [1, 32], strides = [1, 1]} : vector<8x32xf32> to vector<1x32xf32>
    %div3A = arith.constant 1.310720e+05 : f32
    %div3A_8 = vector.broadcast %div3A : f32 to vector<1x32xf32>
    %div3A_9 = arith.divf %slice3A, %div3A_8 : vector<1x32xf32>
    %slice3A_10 = vector.extract_strided_slice %get3A_4 {offsets = [1, 0], sizes = [1, 32], strides = [1, 1]} : vector<8x32xf32> to vector<1x32xf32>
    %div3A_11 = arith.constant 1.310720e+05 : f32
    %div3A_12 = vector.broadcast %div3A_11 : f32 to vector<1x32xf32>
    %div3A_13 = arith.divf %slice3A_10, %div3A_12 : vector<1x32xf32>
    %mul3A = arith.mulf %div3A_9, %div3A_9 : vector<1x32xf32>
    %sub3A = arith.subf %div3A_13, %mul3A : vector<1x32xf32>
    %slice3A_14 = vector.extract_strided_slice %get3A_7 {offsets = [1, 0], sizes = [1, 32], strides = [1, 1]} : vector<8x32xf32> to vector<1x32xf32>
    %sub3A_15 = vector.broadcast %div3A_9 : vector<1x32xf32> to vector<4096x32xf32>
    %sub3A_16 = arith.subf %get3A_1, %sub3A_15 : vector<4096x32xf32>
    %mul3A_17 = vector.broadcast %slice3A_14 : vector<1x32xf32> to vector<4096x32xf32>
    %mul3A_18 = arith.mulf %mul3A_17, %sub3A_16 : vector<4096x32xf32>
    %add3A = arith.constant 9.99999974E-6 : f32
    %add3A_19 = vector.broadcast %add3A : f32 to vector<1x32xf32>
    %add3A_20 = arith.addf %sub3A, %add3A_19 : vector<1x32xf32>
    %sqrt3A = math.sqrt %add3A_20 : vector<1x32xf32>
    %div3A_21 = vector.broadcast %sqrt3A : vector<1x32xf32> to vector<4096x32xf32>
    %div3A_22 = arith.divf %mul3A_18, %div3A_21 : vector<4096x32xf32>
    %slice3A_23 = vector.extract_strided_slice %get3A_7 {offsets = [2, 0], sizes = [1, 32], strides = [1, 1]} : vector<8x32xf32> to vector<1x32xf32>
    %add3A_24 = vector.broadcast %slice3A_23 : vector<1x32xf32> to vector<4096x32xf32>
    %add3A_25 = arith.addf %div3A_22, %add3A_24 : vector<4096x32xf32>
    %max3A = arith.constant 0.000000e+00 : f32
    %max3A_26 = vector.broadcast %max3A : f32 to vector<4096x32xf32>
    %max3A_27 = arith.maximumf %add3A_25, %max3A_26 : vector<4096x32xf32>
    %reshape3A = vector.shape_cast %max3A_27 : vector<4096x32xf32> to vector<256x16x32xf32>
    %reduce_max3A = arith.constant dense<0xFF800000> : vector<256x32xf32>
    %reduce_max3A_28 = vector.multi_reduction <maximumf>, %reshape3A, %reduce_max3A [1] : vector<256x16x32xf32> to vector<256x32xf32>
    %swap3A = arith.constant 0 : index
    %swap3A_29 = arith.constant 0 : index
    %swap3A_30 = vector.load %arg4[%swap3A, %swap3A_29] : memref<256x32xf32, #tpu.memory_space<vmem>>, vector<256x32xf32>
    tpu.vector_store %arg4[%swap3A, %swap3A_29], %reduce_max3A_28 {strides = array<i32>} : memref<256x32xf32, #tpu.memory_space<vmem>>, vector<256x32xf32>,
    return
  }
  func.func @transform_0(%arg0: i32) -> (i32, i32) {
    %c0_i32 = arith.constant 0 : i32
    %c0_i32_0 = arith.constant 0 : i32
    return %arg0, %c0_i32 : i32, i32
  }
  func.func @transform_1(%arg0: i32) -> (i32, i32) {
    %c0_i32 = arith.constant 0 : i32
    %c0_i32_0 = arith.constant 0 : i32
    %c0_i32_1 = arith.constant 0 : i32
    return %c0_i32, %c0_i32_0 : i32, i32
  }
  func.func @transform_2(%arg0: i32) -> (i32, i32) {
    %c0_i32 = arith.constant 0 : i32
    %c0_i32_0 = arith.constant 0 : i32
    %c0_i32_1 = arith.constant 0 : i32
    return %c0_i32, %c0_i32_0 : i32, i32
  }
  func.func @transform_3(%arg0: i32) -> (i32, i32) {
    %c0_i32 = arith.constant 0 : i32
    %c0_i32_0 = arith.constant 0 : i32
    return %arg0, %c0_i32 : i32, i32
  }
}

</mosaic_0001>

<sc_bundles>
// kernel: kernel.9.cloned.1.call-start
scs
__scs_entry_jumppad:
0x0: {  	(pc) =	sbr.rel $0x88, $3  }
0x1: {  	(tag) =	ssettag $0x0;
	lr =	simm.s32 $0x1  }
0x2: {  	[smem:$0x3F94] =	sst lr;
	_ =	strace $0xD0000000  }
0x3: {  	_ = 	snop  }
0x4: {  	_ = 	snop  }
0x5: {  	_ = 	snop  }
0x6: {  	_ = 	snop  }
0x7: {  	_ = 	snop  }
__scs_overlays_trampoline_lowered:
0x8: {  	[smem:$0x3FA3] =	sst s0  }
0x9: {  	[smem:$0x3FA4] =	sst s1  }
0xa: {  	[smem:$0x3FA5] =	sst s2  }
0xb: {  	[smem:$0x3FA6] =	sst s3  }
0xc: {  	[smem:$0x3FA7] =	sst s4  }
0xd: {  	[smem:$0x3FA8] =	sst s5  }
0xe: {  	[smem:$0x3FA9] =	sst s6  }
0xf: {  	[smem:$0x3FAA] =	sst s7  }
0x10: {  	[smem:$0x3FAB] =	sst s8  }
0x11: {  	[smem:$0x3FAC] =	sst s9;
	s0 =	simm.s32 @!p0 $0x0  }
0x12: {  	s1 =	sld [smem:$0x3F92];
	s0 =	simm.s32 @p0 $0x1  }
0x13: {  	[smem:$0x3FAD] =	sst s0;
	s0 =	simm.s32 @!p1 $0x0  }
0x14: {  	s2 =	sld [smem:$0x3F91];
	s0 =	simm.s32 @p1 $0x1  }
0x15: {  	[smem:$0x3FAE] =	sst s0;
	s0 =	simm.s32 @!p2 $0x0  }
0x16: {  	s3 =	sld [smem:$0x3FDB];
	s0 =	simm.s32 @p2 $0x1  }
0x17: {  	s4 =	simm.s32 $0x1BF5;
	[smem:$0x3FB0] =	sst s0  }
0x18: {  	s0 =	sld [smem:$0x3F93];
	_ =	swait.ge [sflag:s4], $0x0  }
0x19: {  	s7 =	sld [smem:$0x3F94]  }
0x1a: {  	s8 =	sadd.s32 $0xFFFFE003, lr  }
0x1b: {  	s9 =	sadd.s32 $0xFFFFFEF7, lr;
	s5 =	simm.s32 $0xFFFFFFFF;
	p2 =	slt.u32 s8, $0xFFFFF086  }
0x1c: {  	p1 =	slt.u32 s9, $0xF7A;
	s5 =	simm.s32 @!p2 $0x0  }
0x1d: {  	s5 =	simm.s32 @p1 $0x1;
	p0 =	seq.s32 s7, s2  }
0x1e: {  	s7 =	smul.u32 @!p0 $0xF7A, s2;
	p2 =	seq.s32 @!p0 s5, $0x0  }
0x1f: {  	s9 =	smul.u32 $0xF7A, s1;
	s8 =	simm.s32 @!p0 $0x1BF5;
	p2 =	por !p2, p0  }
0x20: {  	[sflag:s8] =	ssyncset.s32 @!p0 $0xFFFFF086;
	s6 =	sadd.s32 @!p0 s3, s7;
	s7 =	simm.s32 @!p0 $0x108  }
0x21: {  	s3 =	sadd.s32 s3, s9;
	s6 =	sadd.s32 @!p0 $0x88, s6;
	s7 =	simm.s32 @p2 $0x1082  }
0x22: {  	[simem:s7], [sflag:s8] =	dma.local @!p0 [hbm:s6], $0xF7A  }
0x23: {  	s9 =	sor.u32 $0xD0000000, s2;
	s6 =	simm.s32 $0x108;
	_ =	swait.ge @!p0 [sflag:s8], $0x0  }
0x24: {  	s3 =	sadd.s32 $0x88, s3;
	s6 =	simm.s32 @!p1 $0x1082;
	[sflag:s4] =	ssyncset.s32 $0xFFFFF086  }
0x25: {  	[simem:s6], [sflag:s4] =	dma.local [hbm:s3], $0xF7A  }
0x26: {  	[smem:$0x3F94] =	sst s1;
	(tag) =	ssettag s2;
	_ =	strace s9  }
0x27: {  	s1 =	sld [smem:$0x3FA4]  }
0x28: {  	s2 =	sld [smem:$0x3FA5]  }
0x29: {  	s4 =	sld [smem:$0x3FA7]  }
0x2a: {  	p0 =	seq.s32 s5, $0x0;
	s5 =	sld [smem:$0x3FA8]  }
0x2b: {  	s6 =	sld [smem:$0x3FA9]  }
0x2c: {  	s7 =	sld [smem:$0x3FAA]  }
0x2d: {  	s3 =	simm.s32 $0x108;
	s8 =	sld [smem:$0x3FAB]  }
0x2e: {  	s3 =	simm.s32 @!p0 $0x1082;
	s9 =	sld [smem:$0x3FAC]  }
0x2f: {  	lr =	sadd.s32 s0, s3;
	s0 =	sld [smem:$0x3FA3]  }
0x30: {  	s3 =	sld [smem:$0x3FA6]  }
0x31: {  	[smem:$0x3FAF] =	sst s10  }
0x32: {  	s10 =	sld [smem:$0x3FAD];
	_ =	sdelay $0x3  }
0x33: {  	p0 =	seq.s32 s10, $0x1;
	s10 =	sld [smem:$0x3FAF];
	_ =	sdelay $0x3  }
0x34: {  	[smem:$0x3FAF] =	sst s10  }
0x35: {  	s10 =	sld [smem:$0x3FAE];
	_ =	sdelay $0x3  }
0x36: {  	p1 =	seq.s32 s10, $0x1;
	s10 =	sld [smem:$0x3FAF];
	_ =	sdelay $0x3  }
0x37: {  	[smem:$0x3FAF] =	sst s10  }
0x38: {  	s10 =	sld [smem:$0x3FB0]  }
0x39: {  	_ = 	snop;
	(pc) =	sbr.ind lr, $3  }
0x3a: {  	_ = 	snop  }
0x3b: {  	_ = 	snop  }
0x3c: {  	p2 =	seq.s32 s10, $0x1;
	s10 =	sld [smem:$0x3FAF]  }
0x3d: {  	_ =	shalt  }
0x3e: {  	_ =	shalt  }
0x3f: {  	_ =	shalt  }
0x40: {  	_ =	shalt  }
0x41: {  	_ =	shalt  }
0x42: {  	_ =	shalt  }
0x43: {  	_ =	shalt  }
0x44: {  	_ =	shalt  }
0x45: {  	_ =	shalt  }
0x46: {  	_ =	shalt  }
0x47: {  	_ =	shalt  }
0x48: {  	_ =	shalt  }
0x49: {  	_ =	shalt  }
0x4a: {  	_ =	shalt  }
0x4b: {  	_ =	shalt  }
0x4c: {  	_ =	shalt  }
0x4d: {  	_ =	shalt  }
0x4e: {  	_ =	shalt  }
0x4f: {  	_ =	shalt  }
0x50: {  	_ =	shalt  }
0x51: {  	_ =	shalt  }
0x52: {  	_ =	shalt  }
0x53: {  	_ =	shalt  }
0x54: {  	_ =	shalt  }
0x55: {  	_ =	shalt  }
0x56: {  	_ =	shalt  }
0x57: {  	_ =	shalt  }
0x58: {  	_ =	shalt  }
0x59: {  	_ =	shalt  }
0x5a: {  	_ =	shalt  }
0x5b: {  	_ =	shalt  }
0x5c: {  	_ =	shalt  }
0x5d: {  	_ =	shalt  }
0x5e: {  	_ =	shalt  }
0x5f: {  	_ =	shalt  }
0x60: {  	_ =	shalt  }
0x61: {  	_ =	shalt  }
0x62: {  	_ =	shalt  }
0x63: {  	_ =	shalt  }
0x64: {  	_ =	shalt  }
0x65: {  	_ =	shalt  }
0x66: {  	_ =	shalt  }
0x67: {  	_ =	shalt  }
0x68: {  	_ =	shalt  }
0x69: {  	_ =	shalt  }
0x6a: {  	_ =	shalt  }
0x6b: {  	_ =	shalt  }
0x6c: {  	_ =	shalt  }
0x6d: {  	_ =	shalt  }
0x6e: {  	_ =	shalt  }
0x6f: {  	_ =	shalt  }
0x70: {  	_ =	shalt  }
0x71: {  	_ =	shalt  }
0x72: {  	_ =	shalt  }
0x73: {  	_ =	shalt  }
0x74: {  	_ =	shalt  }
0x75: {  	_ =	shalt  }
0x76: {  	_ =	shalt  }
0x77: {  	_ =	shalt  }
0x78: {  	_ =	shalt  }
0x79: {  	_ =	shalt  }
0x7a: {  	_ =	shalt  }
0x7b: {  	_ =	shalt  }
0x7c: {  	_ =	shalt  }
0x7d: {  	_ =	shalt  }
0x7e: {  	_ =	shalt  }
0x7f: {  	_ =	shalt  }
0x80: {  	_ =	shalt  }
0x81: {  	_ =	shalt  }
0x82: {  	_ =	shalt  }
0x83: {  	_ =	shalt  }
0x84: {  	_ =	shalt  }
0x85: {  	_ =	shalt  }
0x86: {  	_ =	shalt  }
0x87: {  	_ =	shalt  }
.Lfunc_end0:
.L_simem_size_0:
called_computation_lowered:
.L_overlay_start_0:
0x88: {  	s2 =	sld [smem:$0x3FD9]  }
0x89: {  	s3 =	sld [smem:$0x3FFE];
	_ =	sdelay $0x1  }
0x8a: {  	s1 =	srdreg.scid  }
0x8b: {  	s0 =	sand.u32 $0x1, s1  }
0x8c: {  	s14 =	sshll.u32 s0, $0xA;
	s2 =	sadd.s32 s3, s2  }
0x8d: {  	s2 =	sadd.s32 s2, s14  }
0x8e: {  	[smem:$0x3FBB] =	sst s2  }
0x8f: {  	_ = 	snop  }
0x90: {  	s2 =	sld [smem:$0x3FD0];
	_ =	sdelay $0x2  }
0x91: {  	s15 =	simm.s32 $0xA;
	s4 =	simm.s32 $0x10  }
0x92: {  	[smem:s4], [sflag:s15] =	dma.local [hbm:s2], $0x1  }
0x93: {  	_ =	swait.eq [sflag:s15], $0x1  }
0x94: {  	[sflag:s15] =	ssyncset.done $0x0  }
0x95: {  	[sflag:s15] =	ssyncadd.s32 $0xFFFFFFFF  }
0x96: {  	s16 =	sld [smem:$0x11];
	(tm) =	ssettm $0x1  }
0x97: {  	s17 =	sld [smem:$0x3FFB];
	_ =	sdelay $0x3  }
0x98: {  	_ =	strace s17  }
0x99: {  	s3 =	sld [smem:$0x3FFC];
	_ =	sdelay $0x3  }
0x9a: {  	_ =	strace s3  }
0x9b: {  	s3 =	sld [smem:$0x3FFD];
	_ =	sdelay $0x3  }
0x9c: {  	_ =	strace s3  }
0x9d: {  	_ =	strace $0x8FFFFFFF  }
0x9e: {  	s18 =	sld [smem:$0x3FDB];
	_ =	sdelay $0x1  }
0x9f: {  	s19 =	simm.s32 $_scs_section_size  }
0xa0: {  	s5 =	simm.s32 $_size__tile_overlayer_lowered;
	s6 =	simm.s32 $_tile_overlayer_lowered  }
0xa1: {  	s22 =	simm.s32 $0x1BFF;
	s21 =	sshll.u32 s6, $0x1;
	s3 =	sadd.s32 s19, s18  }
0xa2: {  	s7 =	simm.s32 $0x0;
	s20 =	sshll.u32 s5, $0x1;
	s5 =	sadd.s32 s21, s3  }
0xa3: {  	[timem:s7], [sflag:s22] =	dma.local [hbm:s5], s20  }
0xa4: {  	_ =	swait.ge [sflag:s22], s20  }
0xa5: {  	s4 =	ssub.s32 $0x0, s20;
	[sflag:s22] =	ssyncset.done $0x0  }
0xa6: {  	[sflag:s22] =	ssyncadd.s32 s4;
	_ =	sdelay $0x1  }
0xa7: {  	s23 =	simm.s32 $0x1B8B  }
0xa8: {  	_ =	swait.ge [sflag:s23], $0x1  }
0xa9: {  	[sflag:s23] =	ssyncset.done $0x0  }
0xaa: {  	s25 =	simm.s32 $0x1B8E;
	s24 =	sld [smem:$0x3FFE];
	[sflag:s23] =	ssyncadd.s32 $0xFFFFFFFF  }
0xab: {  	s26 =	simm.s32 $execute0_lowered;
	[smem:$0x3FD2] =	sst s25  }
0xac: {  	s5 =	sshll.u32 s26, $0x1;
	_ =	strace $0x80000046;
	[dreg:$0x1] =	wrdreg $0xFFFFFFFF  }
0xad: {  	s28 =	simm.s32 $_size_execute0_lowered;
	s3 =	sadd.s32 s3, s5;
	[dreg:$0x0] =	wrdreg $0x0  }
0xae: {  	s5 =	sshll.u32 s28, $0x1;
	[dreg:$0x2] =	wrdreg s3  }
0xaf: {  	[dreg:$0x3] =	wrdreg s5  }
0xb0: {  	[dreg:$0x4] =	wrdreg $0xC0  }
0xb1: {  	_ =	task [dreg:s7], $0x5FFFF  }
0xb2: {  	[dreg:$0x1] =	wrdreg $0xFFFFFFFF  }
0xb3: {  	[dreg:$0x0] =	wrdreg $0x60  }
0xb4: {  	[dreg:$0x2] =	wrdreg s24  }
0xb5: {  	[dreg:$0x3] =	wrdreg s16  }
0xb6: {  	[dreg:$0x4] =	wrdreg $0x9  }
0xb7: {  	_ =	task.clear_ibuf [dreg:s7], $0x5FFFF;
	_ =	strace $0x90000046  }
0xb8: {  	s29 =	simm.s32 $0x9;
	_ =	strace $0x8000004F  }
0xb9: {  	_ =	swait.ge [sflag:s29], $0x1  }
0xba: {  	[sflag:s29] =	ssyncadd.s32 $0xFFFFFFFF  }
0xbb: {  	_ =	strace $0x9000004F  }
0xbc: {  	_ =	sfence  }
0xbd: {  	s30 =	sld [smem:$0x0];
	_ =	sdelay $0x2  }
0xbe: {  	s31 =	sshll.u32 s1, $0xD;
	s1 =	sshrl.u32 s1, $0x2  }
0xbf: {  	s3 =	sand.u32 $0x4000, s31;
	s1 =	sadd.s32 s1, s30  }
0xc0: {  	s0 =	sor.u32 s3, s0;
	s1 =	sshll.u32 s1, $0x11  }
0xc1: {  	s0 =	sor.u32 s1, s0  }
0xc2: {  	s0 =	sadd.s32 $0x8F2B, s0  }
0xc3: {  	[sflag:s0] =	ssyncadd.remote.s32 $0x1  }
0xc4: {  	_ =	sfence.sel $0xFFFF  }
0xc5: {  	[dreg:$0x0] =	wrdreg $0xFFFFFFFF;
	(pc) =	sbr.abs _section_cstart, $3  }
0xc6: {  	[dreg:$0x1] =	wrdreg $0xFFFFFFFF  }
0xc7: {  	_ =	task.clear_ibuf [dreg:s7], $0x2FFFF;
	_ =	strace $0x9FFFFFFF  }
0xc8: {  	(tm) =	ssettm $0x7FFFFFFF  }
0xc9: {  	_ =	shalt  }
tec
execute0_lowered:
.L_overlay_start_1:
0x0: {  	(tag) =	ssettag $0x1  }
0x1: {  	s4 =	rddreg [dreg:$0x0]  }
0x2: {  	s1 =	rddreg [dreg:$0x1]  }
0x3: {  	s0 =	rddreg [dreg:$0x2];
	s2 =	simm.s32 $0x0  }
0x4: {  	s5 =	srdreg.scid;
	s8 =	simm.s32 $0x80;
	s9 =	simm.s32 $0x4  }
0x5: {  	s10 =	simm.s32 $0x0;
	[smem:$0x7FF] =	sst s2;
	s3 =	sadd.s32 $0x102C00, s4  }
0x6: {  	s4 =	sadd.s32 $0x202C00, s4;
	_ =	strace $0x80000047;
	[dreg:$0x3] =	wrdreg s3  }
0x7: {  	s5 =	sand.u32 $0x1, s5;
	s3 =	stileid.u32;
	[dreg:$0x5] =	wrdreg s4  }
0x8: {  	s6 =	ssub.s32 $0x2, s5;
	s5 =	sshll.u32 s5, $0x4;
	[dreg:$0x4] =	wrdreg s8  }
0x9: {  	s8 =	simm.s32 $0x5;
	s7 =	sshrl.u32 s6, $0x1;
	s5 =	sor.u32 s3, s5  }
0xa: {  	s6 =	ssub.s32 s6, s7;
	s31 =	sshll.u32 s5, $0x9;
	s4 =	sshll.u32 s5, $0x5  }
0xb: {  	s7 =	simm.s32 $0x1;
	s5 =	sadd.s32 s1, s31;
	s6 =	smax.u32 s6, $0x1  }
.LBB2_1:
0xc: {  	_ =	strace $0x80000048;
	s11 =	simm.s32 $0x1;
	p0 =	por $0x0, $0x0  }
0xd: {  	[tilespmem:s2], [sflag:$0x1] =	stream.linear.gather [hbm4b:s5+s2], $0x80, $0x200038;
	[tilespmem:$0x8100] =	vst v63  }
0xe: {  	s11 =	simm.s32 @p0 $0x0  }
0xf: {  	p4 =	por $0x1, $0x1;
	s20 =	sand.u32 $0x1, s2;
	p1 =	sne.s32 s11, $0x0  }
0x10: {  	p2 =	por $0x1, $0x1;
	s18 =	simm.s32 $0x1E;
	p0 =	por !p4, !p1  }
0x11: {  	s16 =	simm.s32 $0x0;
	p5 =	por $0x0, $0x0;
	p0 =	por !p0, !p0  }
0x12: {  	s23 =	sadd.s32 $0x0, s4;
	s30 =	sadd.s32 $0x1, s20;
	s12 =	sadd.s32 @p0 s4, s11  }
0x13: {  	_ =	strace $0x90000048;
	s13 =	sand.u32 @p0 $0x1, s7;
	s12 =	sshll.u32 @p0 s12, $0x4  }
0x14: {  	_ =	strace @p0 $0x80000049;
	s15 =	simm.s32 @p0 $0x0;
	s12 =	sand.u32 @p0 $0x1FFFFFF0, s12  }
0x15: {  	s14 =	sshll.u32 @p0 s13, $0x7;
	s13 =	sadd.s32 @p0 $0x1, s13;
	s12 =	sadd.s32 @p0 s1, s12  }
0x16: {  	[tilespmem:s14], [sflag:s13] =	stream.linear.gather @p0 [hbm4b:s12+s15], $0x80, $0x200038;
	[tilespmem:$0x8100] =	vst v63  }
0x17: {  	p3 =	por p2, p2;
	s21 =	sshll.u32 s20, $0xE;
	_ =	strace @p0 $0x90000049  }
0x18: {  	s16 =	sand.u32 $0x80, s16;
	p2 =	por p5, p5;
	_ =	strace $0x8000004A  }
0x19: {  	s17 =	sadd.s32 $0x1, s11;
	s22 =	sor.u32 $0x100, s21;
	_ =	swait.ge [sflag:s30], $0x80  }
0x1a: {  	s21 =	simm.s32 $0x1;
	p6 =	por p1, p1;
	[sflag:s30] =	ssyncset.done $0x0  }
0x1b: {  	p1 =	por p3, p3;
	p4 =	por $0x1, $0x1;
	[sflag:s30] =	ssyncadd.s32 $0xFFFFFF80  }
0x1c: {  	s12 =	simm.s32 $0x1F;
	s15 =	sand.u32 @!p3 $0x1, s2;
	_ =	strace $0x9000004A  }
0x1d: {  	s13 =	simm.s32 $0x1;
	p3 =	seq.s32 s17, $0x20;
	_ =	strace $0x8000004B  }
0x1e: {  	s13 =	simm.s32 @!p0 $0x0;
	s17 =	simm.s32 @p3 $0x0;
	s19 =	rddreg [dreg:$0x4]  }
0x1f: {  	p0 =	por $0x0, $0x0;
	s14 =	sadd.s32 $0x1, s13;
	s31 =	rddreg [dreg:$0x3]  }
0x20: {  	[tilespmem:s22], [sflag:$0x5] =	stream.indirect.gather [hbm4b:s31+s19], $0x80, s16, s19, $0x2000b8;
	[tilespmem:$0x8100] =	vst v63  }
0x21: {  	p3 =	sne.s32 s11, s17;
	s21 =	simm.s32 @!p0 $0x0;
	_ =	swait.ge [sflag:s8], $0x4000  }
0x22: {  	p5 =	por !p4, !p3;
	p4 =	por $0x0, $0x0;
	[sflag:s8] =	ssyncset.done $0x0  }
0x23: {  	s13 =	simm.s32 $0x0;
	p6 =	por p4, p6;
	[sflag:s8] =	ssyncadd.s32 $0xFFFFC000  }
0x24: {  	s16 =	simm.s32 $0x0;
	s19 =	simm.s32 $0x0;
	_ =	strace $0x9000004B  }
.LBB2_2:
0x25: {  	_ =	strace @p6 $0x8000004C;
	s13 =	sadd.s32 s21, s13;
	s21 =	smov.u32 s12  }
0x26: {  	s12 =	smov.u32 s18;
	s18 =	sadd.s32 $0xFFFFFFFF, s18;
	p0 =	por p3, p3  }
0x27: {  	s28 =	sshll.u32 @p6 s23, $0xB;
	s20 =	sadd.s32 @p6 $0x3, s20;
	s24 =	simm.s32 @!p0 $0x0  }
0x28: {  	s25 =	rddreg [dreg:$0x5];
	s28 =	sand.u32 @p6 $0x1FFFF800, s28;
	s24 =	simm.s32 @p0 $0x1  }
0x29: {  	s25 =	sadd.s32 @p6 s25, s28;
	s28 =	simm.s32 @p6 $0x0;
	p0 =	sne.s32 s18, $0x0  }
0x2a: {  	[hbm4b:s25+s28] =	stream.linear.scatter @p6 [tilespmem:s22], [sflag:s20], $0x4000, $0x200038;
	[tilespmem:$0x8100] =	vst v63  }
0x2b: {  	s20 =	sadd.s32 @!p1 $0x3, s15;
	s15 =	simm.s32 @!p0 $0x0  }
0x2c: {  	s26 =	simm.s32 $0x1;
	[smem:$0x7FC] =	sst s24;
	s15 =	simm.s32 @p0 $0x1  }
0x2d: {  	s26 =	simm.s32 @!p6 $0x0;
	_ =	strace @p6 $0x9000004C;
	[smem:$0x7FD] =	sst s15  }
0x2e: {  	p5 =	por !p5, !p5;
	s19 =	sadd.s32 s26, s19;
	_ =	strace @!p1 $0x8000004D  }
0x2f: {  	s24 =	sand.u32 @!p2 $0x1, s13;
	s22 =	sand.u32 @p5 $0x1, s14;
	_ =	swait.ge @!p1 [sflag:s20], $0x4000  }
0x30: {  	s15 =	smov.u32 s24;
	s24 =	sadd.s32 @p5 s4, s17;
	[sflag:s20] =	ssyncset.done @!p1 $0x0  }
0x31: {  	s25 =	sshll.u32 @p5 s22, $0x7;
	s24 =	sshll.u32 @p5 s24, $0x4;
	[sflag:s20] =	ssyncadd.s32 @!p1 $0xFFFFC000  }
0x32: {  	s20 =	sadd.s32 @p5 $0x1, s22;
	s22 =	sand.u32 @p5 $0x1FFFFFF0, s24;
	_ =	strace @!p1 $0x9000004D  }
0x33: {  	s24 =	simm.s32 @p5 $0x0;
	s22 =	sadd.s32 @p5 s1, s22;
	_ =	strace @p5 $0x80000049  }
0x34: {  	[tilespmem:s25], [sflag:s20] =	stream.linear.gather @p5 [hbm4b:s22+s24], $0x80, $0x200038;
	[tilespmem:$0x8100] =	vst v63  }
0x35: {  	s16 =	sadd.s32 s26, s16;
	s26 =	sand.u32 $0x1, s19;
	_ =	strace @p5 $0x90000049  }
0x36: {  	s24 =	sadd.s32 $0x1, s26;
	_ =	strace $0x8000004A  }
0x37: {  	_ =	swait.ge [sflag:s24], $0x80  }
0x38: {  	[sflag:s24] =	ssyncset.done $0x0  }
0x39: {  	s20 =	simm.s32 $0x1;
	[sflag:s24] =	ssyncadd.s32 $0xFFFFFF80  }
0x3a: {  	s20 =	simm.s32 @!p5 $0x0;
	_ =	strace $0x9000004A  }
0x3b: {  	s14 =	sadd.s32 s20, s14;
	s20 =	sand.u32 $0x1, s16;
	_ =	strace $0x8000004B  }
0x3c: {  	s29 =	sshll.u32 s19, $0x7;
	s25 =	sshll.u32 s20, $0xE;
	s26 =	rddreg [dreg:$0x4]  }
0x3d: {  	s29 =	sand.u32 $0x80, s29;
	s22 =	sor.u32 $0x100, s25;
	s30 =	rddreg [dreg:$0x3]  }
0x3e: {  	[tilespmem:s22], [sflag:$0x5] =	stream.indirect.gather [hbm4b:s30+s26], $0x80, s29, s26, $0x2000b8;
	[tilespmem:$0x8100] =	vst v63  }
0x3f: {  	_ =	swait.ge [sflag:s8], $0x4000  }
0x40: {  	s31 =	sadd.s32 $0x1, s17;
	[sflag:s8] =	ssyncset.done $0x0  }
0x41: {  	s23 =	sadd.s32 s4, s11;
	s11 =	smov.u32 s17;
	[sflag:s8] =	ssyncadd.s32 $0xFFFFC000  }
0x42: {  	p3 =	seq.s32 s31, $0x20;
	s17 =	smov.u32 s31;
	_ =	strace $0x9000004B  }
0x43: {  	s17 =	simm.s32 @p3 $0x0;
	s31 =	sld [smem:$0x7FD]  }
0x44: {  	p6 =	sne.s32 s12, $0x1;
	p0 =	sne.s32 s21, $0x20;
	p3 =	sne.s32 s11, s17  }
0x45: {  	p5 =	por !p6, !p3;
	p6 =	seq.s32 s21, $0x1;
	s21 =	simm.s32 $0x1  }
0x46: {  	s21 =	simm.s32 @!p0 $0x0;
	p0 =	seq.s32 s31, $0x1  }
.Ltmp0:
0x47: {  	s30 =	sld [smem:$0x7FC];
	(pc) =	sbr.rel @p0 .LBB2_2-.Ltmp0, $4  }
0x48: {  	_ = 	snop  }
0x49: {  	p4 =	seq.s32 s12, $0x20  }
0x4a: {  	p1 =	por p2, p2;
	p2 =	por p4, p4;
	p4 =	seq.s32 s30, $0x1  }
0x4b: {  	p6 =	por p6, p4  }
0x4c: {  	_ =	strace @p6 $0x8000004C;
	s23 =	sshll.u32 @p6 s23, $0xB  }
0x4d: {  	s18 =	rddreg [dreg:$0x5];
	s23 =	sand.u32 @p6 $0x1FFFF800, s23  }
0x4e: {  	s20 =	sadd.s32 @p6 $0x3, s20;
	s18 =	sadd.s32 @p6 s18, s23;
	s23 =	simm.s32 @p6 $0x0  }
0x4f: {  	[hbm4b:s18+s23] =	stream.linear.scatter @p6 [tilespmem:s22], [sflag:s20], $0x4000, $0x200038;
	[tilespmem:$0x8100] =	vst v63  }
0x50: {  	p0 =	por !p5, !p5;
	_ =	strace @p6 $0x9000004C  }
0x51: {  	s15 =	sadd.s32 @!p1 $0x3, s15;
	s17 =	sadd.s32 @p0 s4, s17;
	_ =	strace @!p1 $0x8000004D  }
0x52: {  	s14 =	sand.u32 @p0 $0x1, s14;
	s17 =	sshll.u32 @p0 s17, $0x4;
	_ =	swait.ge @!p1 [sflag:s15], $0x4000  }
0x53: {  	s18 =	simm.s32 $0x1;
	s20 =	sshll.u32 @p0 s14, $0x7;
	[sflag:s15] =	ssyncset.done @!p1 $0x0  }
0x54: {  	s14 =	sadd.s32 @p0 $0x1, s14;
	s18 =	simm.s32 @!p6 $0x0;
	[sflag:s15] =	ssyncadd.s32 @!p1 $0xFFFFC000  }
0x55: {  	s19 =	sadd.s32 s18, s19;
	s15 =	sand.u32 @p0 $0x1FFFFFF0, s17;
	_ =	strace @!p1 $0x9000004D  }
0x56: {  	s17 =	simm.s32 @p0 $0x0;
	s15 =	sadd.s32 @p0 s1, s15;
	_ =	strace @p0 $0x80000049  }
0x57: {  	[tilespmem:s20], [sflag:s14] =	stream.linear.gather @p0 [hbm4b:s15+s17], $0x80, $0x200038;
	[tilespmem:$0x8100] =	vst v63  }
0x58: {  	s25 =	sand.u32 $0x1, s19;
	_ =	strace @p0 $0x90000049  }
0x59: {  	s14 =	sadd.s32 $0x1, s25;
	_ =	strace $0x8000004A  }
0x5a: {  	_ =	swait.ge [sflag:s14], $0x80  }
0x5b: {  	[sflag:s14] =	ssyncset.done $0x0  }
0x5c: {  	[sflag:s14] =	ssyncadd.s32 $0xFFFFFF80  }
0x5d: {  	s26 =	sadd.s32 s18, s16;
	_ =	strace $0x9000004A  }
0x5e: {  	s14 =	sand.u32 $0x1, s26;
	_ =	strace $0x8000004B  }
0x5f: {  	s30 =	sshll.u32 s19, $0x7;
	s31 =	sshll.u32 s14, $0xE;
	s28 =	rddreg [dreg:$0x4]  }
0x60: {  	s17 =	sand.u32 $0x80, s30;
	s18 =	sor.u32 $0x100, s31;
	s29 =	rddreg [dreg:$0x3]  }
0x61: {  	[tilespmem:s18], [sflag:$0x5] =	stream.indirect.gather [hbm4b:s29+s28], $0x80, s17, s28, $0x2000b8;
	[tilespmem:$0x8100] =	vst v63  }
0x62: {  	_ =	swait.ge [sflag:s8], $0x4000  }
0x63: {  	[sflag:s8] =	ssyncset.done $0x0  }
0x64: {  	p5 =	por p3, p3;
	p6 =	seq.s32 s12, $0x1;
	[sflag:s8] =	ssyncadd.s32 $0xFFFFC000  }
0x65: {  	s11 =	sadd.s32 s4, s11;
	p0 =	por p6, p5;
	_ =	strace $0x9000004B  }
0x66: {  	s11 =	sshll.u32 @p0 s11, $0xB;
	_ =	strace @p0 $0x8000004C  }
0x67: {  	s13 =	sadd.s32 s21, s13;
	s11 =	sand.u32 @p0 $0x1FFFF800, s11;
	s12 =	rddreg [dreg:$0x5]  }
0x68: {  	s14 =	sadd.s32 @p0 $0x3, s14;
	s11 =	sadd.s32 @p0 s12, s11;
	s12 =	simm.s32 @p0 $0x0  }
0x69: {  	[hbm4b:s11+s12] =	stream.linear.scatter @p0 [tilespmem:s18], [sflag:s14], $0x4000, $0x200038;
	[tilespmem:$0x8100] =	vst v63  }
0x6a: {  	p1 =	por p2, p2;
	s11 =	sand.u32 @!p2 $0x1, s13;
	_ =	strace @p0 $0x9000004C  }
0x6b: {  	s11 =	sadd.s32 @!p1 $0x3, s11;
	_ =	strace @!p1 $0x8000004D  }
0x6c: {  	_ =	swait.ge @!p1 [sflag:s11], $0x4000  }
0x6d: {  	[sflag:s11] =	ssyncset.done @!p1 $0x0  }
0x6e: {  	s10 =	sadd.s32 $0x1, s10;
	[sflag:s11] =	ssyncadd.s32 @!p1 $0xFFFFC000  }
0x6f: {  	p0 =	sne.s32 s10, s6;
	_ =	strace @!p1 $0x9000004D  }
.Ltmp1:
0x70: {  	_ =	strace $0x8000004E;
	(pc) =	sbr.rel @p0 .LBB2_1-.Ltmp1, $4  }
0x71: {  	_ =	swait.ge [sflag:s9], $0x4000  }
0x72: {  	[sflag:s9] =	ssyncset.done $0x0  }
0x73: {  	[sflag:s9] =	ssyncadd.s32 $0xFFFFC000  }
0x74: {  	_ =	strace $0x9000004E  }
0x75: {  	_ =	sfence.sel $0x180000  }
0x76: {  	[bflag:$0x0] =	sbarrier.arrive $0xFFFF  }
0x77: {  	p0 =	sne.s32 s3, $0x0;
	_ =	strace $0x90000047  }
0x78: {  	s0 =	sadd.s32 @!p0 $0x100000, s0;
	[bflag:$0x2] =	sbarrier.arrive $0xFFFF  }
0x79: {  	[sflag:s0] =	ssyncadd.tile.s32 @!p0 $0x1;
	_ =	shalt  }
.Lfunc_end2:
_tile_overlayer_lowered:
.L_overlay_start_2:
0x7a: {  	(tag) =	ssettag $0x2  }
0x7b: {  	s0 =	rddreg [dreg:$0x0];
	s2 =	stileid.u32  }
0x7c: {  	s1 =	rddreg [dreg:$0x1];
	p0 =	sne.s32 s2, $0x0  }
0x7d: {  	s3 =	rddreg [dreg:$0x2];
	[bflag:$0x3] =	sbarrier.arrive $0xFFFF;
	s2 =	simm.s32 @!p0 $0x1C01  }
0x7e: {  	[timem:s3], [sflag:s2] =	dma.local @!p0 [hbm:s0], s1  }
0x7f: {  	s0 =	simm.s32 @!p0 $0x1  }
0x80: {  	_ =	swait.ge @!p0 [sflag:s0], s1  }
0x81: {  	s1 =	ssub.s32 @!p0 $0x0, s1;
	[sflag:s0] =	ssyncset.done @!p0 $0x0  }
0x82: {  	[sflag:s0] =	ssyncadd.s32 @!p0 s1  }
0x83: {  	[bflag:$0x3] =	sbarrier.arrive $0xFFFF  }
0x84: {  	_ =	shalt  }

</sc_bundles>
